<compile_context>
chip_gen: v7x
topology: tpu7x:2x2x1
jax: 0.10.2.dev20260603
libtpu: 0.0.44.dev20260713+nightly
codegen_flags: <defaults>
</compile_context>

<pallas_src>
import jax
import jax.numpy as jnp
from jax import lax
from jax.experimental import pallas as pl
from jax.experimental.pallas import tpu as pltpu
from jax.experimental.pallas import tpu_sc as plsc


NC = 2
NS = 16
NW = NC * NS
BPW = 1
NBUF = 8


def kernel(x, table):
    batch, hist = x.shape
    num_embeddings, embed_dim = table.shape
    num_indices = batch * hist
    hist_pad = (hist + 7) // 8 * 8
    b_per_w = batch * hist_pad // NW
    batch_per_w = batch // NW

    idx = jnp.pad(x, ((0, 0), (0, hist_pad - hist))).reshape(batch * hist_pad)

    padded = jnp.pad(table, ((0, 0), (0, 128 - embed_dim)))

    mesh = plsc.VectorSubcoreMesh(core_axis_name="c", subcore_axis_name="s")

    @pl.kernel(
        out_type=jax.ShapeDtypeStruct((batch, hist_pad, 128), table.dtype),
        mesh=mesh,
        scratch_types=[
            pltpu.VMEM((b_per_w,), jnp.int32),
            pltpu.VMEM((NBUF, BPW * hist_pad, 128), table.dtype),
            pltpu.SemaphoreType.DMA((NBUF,)),
            pltpu.SemaphoreType.DMA((NBUF,)),
        ],
    )
    def gather_kernel(table_hbm, idx_hbm, out_hbm, idx_v, rows_v, gsem, wsem):
        wid = lax.axis_index("s") * NC + lax.axis_index("c")
        base = wid * b_per_w
        bbase = wid * batch_per_w

        pltpu.sync_copy(idx_hbm.at[pl.ds(base, b_per_w)], idx_v)

        @pl.loop(0, batch_per_w, step=BPW * NBUF)
        def _(g):
            gathers = []
            for u in range(NBUF):
                @pl.when(g > 0)
                def _():
                    for v in range(BPW):
                        pltpu.make_async_copy(
                            rows_v.at[u, pl.ds(v * hist_pad, hist_pad)],
                            out_hbm.at[bbase],
                            wsem.at[u],
                        ).wait()

                for v in range(BPW):
                    off = (g + u * BPW + v) * hist_pad
                    gathers.append(
                        pltpu.async_copy(
                            table_hbm.at[idx_v.at[pl.ds(off, hist)]],
                            rows_v.at[u, pl.ds(v * hist_pad, hist)],
                            gsem.at[u],
                        )
                    )
            for u in range(NBUF):
                for v in range(BPW):
                    gathers[u * BPW + v].wait()
                    b = bbase + g + u * BPW + v
                    pltpu.async_copy(
                        rows_v.at[u, pl.ds(v * hist_pad, hist_pad)],
                        out_hbm.at[b],
                        wsem.at[u],
                    )

        for u in range(NBUF):
            for v in range(BPW):
                pltpu.make_async_copy(
                    rows_v.at[u, pl.ds(v * hist_pad, hist_pad)],
                    out_hbm.at[bbase],
                    wsem.at[u],
                ).wait()

    out = gather_kernel(padded, idx)
    return out[:, :hist, :embed_dim]

# --- scband reference (transcript-rebuilt; emitter-appended) ---
"""Pipeline reference for scband-embedding-14001593385621 (READ-ONLY COPY).

The authoritative reference and input builder live on the scoring server;
editing this copy changes nothing except your own understanding.
"""

import jax, jax.numpy as jnp
import numpy as np

NUM_EMBEDDINGS = 1000000
EMBED_DIM = 64
BATCH = 16384
HIST = 50

def setup_inputs(seed: int = 0) -> dict:
    key = jax.random.key(seed)
    k1, k2 = jax.random.split(key)
    x = jax.random.randint(k1, (BATCH, HIST), 0, NUM_EMBEDDINGS, dtype=jnp.int64 if jax.config.jax_enable_x64 else jnp.int32)
    table = jax.random.normal(k2, (NUM_EMBEDDINGS, EMBED_DIM), dtype=jnp.float32)
    return {"x": x, "table": table}

def reference(x, table):
    # nn.Embedding forward: gather rows of the embedding table
    return jnp.take(table, x, axis=0)

if __name__ == "__main__":
    import jax
    _d = setup_inputs()
    print(jax.jit(kernel)(*tuple(_d.values())))

</pallas_src>

<mosaic_0001>
#map = affine_map<(d0, d1) -> (0, 0)>
#map1 = affine_map<(d0, d1) -> (0)>
#map2 = affine_map<(d0, d1) -> (0, 0, 0)>
module attributes {stable_mosaic.version = 14 : i64} {
  func.func @gather_kernel(%arg0: i32, %arg1: i32, %arg2: memref<1000000x128xf32, #tpu.memory_space<hbm>>, %arg3: memref<917504xi32, #tpu.memory_space<hbm>>, %arg4: memref<16384x56x128xf32, #tpu.memory_space<hbm>>, %arg5: memref<28672xi32, #tpu.memory_space<vmem>>, %arg6: memref<8x56x128xf32, #tpu.memory_space<vmem>>, %arg7: memref<8x!tpu.dma_semaphore, #tpu.memory_space<semaphore_mem>>, %arg8: memref<8x!tpu.dma_semaphore, #tpu.memory_space<semaphore_mem>>) attributes {dimension_semantics = [#tpu.dimension_semantics<core_parallel>, #tpu.dimension_semantics<subcore_parallel>], iteration_bounds = array<i64: 2, 16>, scalar_prefetch = 0 : i64, scratch_operands = 4 : i64, tpu.core_type = #tpu.core_type<sc_vector_subcore>, window_params = [{transform_indices = #map}, {transform_indices = #map1}, {transform_indices = #map2}]} {
    %mul3A = arith.constant 2 : i32
    %mul3A_0 = arith.muli %arg1, %mul3A : i32
    %add3A = arith.addi %mul3A_0, %arg0 : i32
    %mul3A_1 = arith.constant 28672 : i32
    %mul3A_2 = arith.muli %add3A, %mul3A_1 : i32
    %mul3A_3 = arith.constant 512 : i32
    %mul3A_4 = arith.muli %add3A, %mul3A_3 : i32
    "tpu.region"() ({
      %run_scoped3A = tpu.sem_alloc : memref<!tpu.dma_semaphore, #tpu.memory_space<semaphore_mem>>
      %dma_start3A = tpu.memref_slice %arg3[%mul3A_2] : memref<917504xi32, #tpu.memory_space<hbm>> -> memref<28672xi32, #tpu.memory_space<hbm>>
      %dma_start3A_168 = tpu.memref_slice %arg3[%mul3A_2] : memref<917504xi32, #tpu.memory_space<hbm>> -> memref<28672xi32, #tpu.memory_space<hbm>>
      tpu.enqueue_dma source(%dma_start3A_168 : memref<28672xi32, #tpu.memory_space<hbm>>) target(%arg5 : memref<28672xi32, #tpu.memory_space<vmem>>) target_semaphore(%run_scoped3A : memref<!tpu.dma_semaphore, #tpu.memory_space<semaphore_mem>>)
      %dma_wait3A_169 = tpu.memref_slice %arg3[%mul3A_2] : memref<917504xi32, #tpu.memory_space<hbm>> -> memref<28672xi32, #tpu.memory_space<hbm>>
      %dma_wait3A_170 = tpu.memref_slice %arg3[%mul3A_2] : memref<917504xi32, #tpu.memory_space<hbm>> -> memref<28672xi32, #tpu.memory_space<hbm>>
      tpu.wait_dma2 semaphore(%run_scoped3A : memref<!tpu.dma_semaphore, #tpu.memory_space<semaphore_mem>>) src(%dma_wait3A_170 : memref<28672xi32, #tpu.memory_space<hbm>>) dst(%arg5 : memref<28672xi32, #tpu.memory_space<vmem>>)
      tpu.yield
    }) : () -> ()
    %scan3A = arith.constant 0 : i32
    %scan3A_5 = arith.constant 64 : i32
    %scan3A_6 = arith.addi %scan3A, %scan3A_5 : i32
    %scan3A_7 = arith.constant 1 : i32
    scf.for %scan3A_168 = %scan3A to %scan3A_6 step %scan3A_7  : i32 {
      %mul3A_169 = arith.constant 8 : i32
      %mul3A_170 = arith.muli %scan3A_168, %mul3A_169 : i32
      %add3A_171 = arith.constant 0 : i32
      %add3A_172 = arith.addi %add3A_171, %mul3A_170 : i32
      %gt3A = arith.constant 0 : i32
      %gt3A_173 = arith.cmpi sgt, %add3A_172, %gt3A : i32
      %convert_element_type3A = arith.extui %gt3A_173 : i1 to i32
      %cond3A = arith.constant 0 : i32
      %cond3A_174 = arith.cmpi ne, %convert_element_type3A, %cond3A : i32
      scf.if %cond3A_174 {
        %dma_wait3A_649 = arith.constant 0 : i32
        %dma_wait3A_650 = arith.constant 0 : i32
        %dma_wait3A_651 = arith.constant 0 : i32
        %dma_wait3A_652 = arith.constant 0 : i32
        %dma_wait3A_653 = tpu.memref_slice %arg6[%dma_wait3A_649, %dma_wait3A_651, %dma_wait3A_652] : memref<8x56x128xf32, #tpu.memory_space<vmem>> -> memref<1x56x128xf32, #tpu.memory_space<vmem>>
        %dma_wait3A_654 = tpu.memref_squeeze %dma_wait3A_653 : memref<1x56x128xf32, #tpu.memory_space<vmem>> -> memref<56x128xf32, #tpu.memory_space<vmem>>
        %dma_wait3A_655 = arith.constant 0 : i32
        %dma_wait3A_656 = arith.constant 0 : i32
        %dma_wait3A_657 = tpu.memref_slice %arg4[%mul3A_4, %dma_wait3A_655, %dma_wait3A_656] : memref<16384x56x128xf32, #tpu.memory_space<hbm>> -> memref<1x56x128xf32, #tpu.memory_space<hbm>>
        %dma_wait3A_658 = tpu.memref_squeeze %dma_wait3A_657 : memref<1x56x128xf32, #tpu.memory_space<hbm>> -> memref<56x128xf32, #tpu.memory_space<hbm>>
        %dma_wait3A_659 = tpu.memref_slice %arg8[%dma_wait3A_650] : memref<8x!tpu.dma_semaphore, #tpu.memory_space<semaphore_mem>> -> memref<1x!tpu.dma_semaphore, #tpu.memory_space<semaphore_mem>>
        %dma_wait3A_660 = tpu.memref_squeeze %dma_wait3A_659 : memref<1x!tpu.dma_semaphore, #tpu.memory_space<semaphore_mem>> -> memref<!tpu.dma_semaphore, #tpu.memory_space<semaphore_mem>>
        %dma_wait3A_661 = arith.constant 0 : i32
        %dma_wait3A_662 = arith.constant 0 : i32
        %dma_wait3A_663 = tpu.memref_slice %arg4[%mul3A_4, %dma_wait3A_661, %dma_wait3A_662] : memref<16384x56x128xf32, #tpu.memory_space<hbm>> -> memref<1x56x128xf32, #tpu.memory_space<hbm>>
        %dma_wait3A_664 = tpu.memref_squeeze %dma_wait3A_663 : memref<1x56x128xf32, #tpu.memory_space<hbm>> -> memref<56x128xf32, #tpu.memory_space<hbm>>
        %dma_wait3A_665 = arith.constant 0 : i32
        %dma_wait3A_666 = arith.constant 0 : i32
        %dma_wait3A_667 = tpu.memref_slice %arg6[%dma_wait3A_649, %dma_wait3A_665, %dma_wait3A_666] : memref<8x56x128xf32, #tpu.memory_space<vmem>> -> memref<1x56x128xf32, #tpu.memory_space<vmem>>
        %dma_wait3A_668 = tpu.memref_squeeze %dma_wait3A_667 : memref<1x56x128xf32, #tpu.memory_space<vmem>> -> memref<56x128xf32, #tpu.memory_space<vmem>>
        tpu.wait_dma2 semaphore(%dma_wait3A_660 : memref<!tpu.dma_semaphore, #tpu.memory_space<semaphore_mem>>) src(%dma_wait3A_668 : memref<56x128xf32, #tpu.memory_space<vmem>>) dst(%dma_wait3A_664 : memref<56x128xf32, #tpu.memory_space<hbm>>)
      } else {
      }
      %add3A_175 = arith.constant 0 : i32
      %add3A_176 = arith.addi %add3A_172, %add3A_175 : i32
      %add3A_177 = arith.constant 0 : i32
      %add3A_178 = arith.addi %add3A_176, %add3A_177 : i32
      %mul3A_179 = arith.constant 56 : i32
      %mul3A_180 = arith.muli %add3A_178, %mul3A_179 : i32
      %dma_start3A = arith.constant 0 : i32
      %dma_start3A_181 = arith.constant 0 : i32
      %dma_start3A_182 = arith.constant 0 : i32
      %dma_start3A_183 = arith.constant 0 : i32
      %dma_start3A_184 = tpu.memref_slice %arg6[%dma_start3A, %dma_start3A_182, %dma_start3A_183] : memref<8x56x128xf32, #tpu.memory_space<vmem>> -> memref<1x50x128xf32, #tpu.memory_space<vmem>>
      %dma_start3A_185 = tpu.memref_squeeze %dma_start3A_184 : memref<1x50x128xf32, #tpu.memory_space<vmem>> -> memref<50x128xf32, #tpu.memory_space<vmem>>
      %dma_start3A_186 = tpu.memref_slice %arg5[%mul3A_180] : memref<28672xi32, #tpu.memory_space<vmem>> -> memref<50xi32, #tpu.memory_space<vmem>>
      %dma_start3A_187 = arith.constant 0 : i32
      %dma_start3A_188 = arith.constant 0 : i32
      %dma_start3A_189 = tpu.memref_slice %arg2[%dma_start3A_187, %dma_start3A_188] : memref<1000000x128xf32, #tpu.memory_space<hbm>> -> memref<1000000x128xf32, #tpu.memory_space<hbm>>
      %dma_start3A_190 = tpu.memref_slice %arg7[%dma_start3A_181] : memref<8x!tpu.dma_semaphore, #tpu.memory_space<semaphore_mem>> -> memref<1x!tpu.dma_semaphore, #tpu.memory_space<semaphore_mem>>
      %dma_start3A_191 = tpu.memref_squeeze %dma_start3A_190 : memref<1x!tpu.dma_semaphore, #tpu.memory_space<semaphore_mem>> -> memref<!tpu.dma_semaphore, #tpu.memory_space<semaphore_mem>>
      tpu.enqueue_indirect_dma source(%dma_start3A_189 : memref<1000000x128xf32, #tpu.memory_space<hbm>>) target(%dma_start3A_185 : memref<50x128xf32, #tpu.memory_space<vmem>>) offsets(%dma_start3A_186 : memref<50xi32, #tpu.memory_space<vmem>>) semaphore(%dma_start3A_191 : memref<!tpu.dma_semaphore, #tpu.memory_space<semaphore_mem>>)
      %gt3A_192 = arith.constant 0 : i32
      %gt3A_193 = arith.cmpi sgt, %add3A_172, %gt3A_192 : i32
      %convert_element_type3A_194 = arith.extui %gt3A_193 : i1 to i32
      %cond3A_195 = arith.constant 0 : i32
      %cond3A_196 = arith.cmpi ne, %convert_element_type3A_194, %cond3A_195 : i32
      scf.if %cond3A_196 {
        %dma_wait3A_649 = arith.constant 1 : i32
        %dma_wait3A_650 = arith.constant 1 : i32
        %dma_wait3A_651 = arith.constant 0 : i32
        %dma_wait3A_652 = arith.constant 0 : i32
        %dma_wait3A_653 = tpu.memref_slice %arg6[%dma_wait3A_649, %dma_wait3A_651, %dma_wait3A_652] : memref<8x56x128xf32, #tpu.memory_space<vmem>> -> memref<1x56x128xf32, #tpu.memory_space<vmem>>
        %dma_wait3A_654 = tpu.memref_squeeze %dma_wait3A_653 : memref<1x56x128xf32, #tpu.memory_space<vmem>> -> memref<56x128xf32, #tpu.memory_space<vmem>>
        %dma_wait3A_655 = arith.constant 0 : i32
        %dma_wait3A_656 = arith.constant 0 : i32
        %dma_wait3A_657 = tpu.memref_slice %arg4[%mul3A_4, %dma_wait3A_655, %dma_wait3A_656] : memref<16384x56x128xf32, #tpu.memory_space<hbm>> -> memref<1x56x128xf32, #tpu.memory_space<hbm>>
        %dma_wait3A_658 = tpu.memref_squeeze %dma_wait3A_657 : memref<1x56x128xf32, #tpu.memory_space<hbm>> -> memref<56x128xf32, #tpu.memory_space<hbm>>
        %dma_wait3A_659 = tpu.memref_slice %arg8[%dma_wait3A_650] : memref<8x!tpu.dma_semaphore, #tpu.memory_space<semaphore_mem>> -> memref<1x!tpu.dma_semaphore, #tpu.memory_space<semaphore_mem>>
        %dma_wait3A_660 = tpu.memref_squeeze %dma_wait3A_659 : memref<1x!tpu.dma_semaphore, #tpu.memory_space<semaphore_mem>> -> memref<!tpu.dma_semaphore, #tpu.memory_space<semaphore_mem>>
        %dma_wait3A_661 = arith.constant 0 : i32
        %dma_wait3A_662 = arith.constant 0 : i32
        %dma_wait3A_663 = tpu.memref_slice %arg4[%mul3A_4, %dma_wait3A_661, %dma_wait3A_662] : memref<16384x56x128xf32, #tpu.memory_space<hbm>> -> memref<1x56x128xf32, #tpu.memory_space<hbm>>
        %dma_wait3A_664 = tpu.memref_squeeze %dma_wait3A_663 : memref<1x56x128xf32, #tpu.memory_space<hbm>> -> memref<56x128xf32, #tpu.memory_space<hbm>>
        %dma_wait3A_665 = arith.constant 0 : i32
        %dma_wait3A_666 = arith.constant 0 : i32
        %dma_wait3A_667 = tpu.memref_slice %arg6[%dma_wait3A_649, %dma_wait3A_665, %dma_wait3A_666] : memref<8x56x128xf32, #tpu.memory_space<vmem>> -> memref<1x56x128xf32, #tpu.memory_space<vmem>>
        %dma_wait3A_668 = tpu.memref_squeeze %dma_wait3A_667 : memref<1x56x128xf32, #tpu.memory_space<vmem>> -> memref<56x128xf32, #tpu.memory_space<vmem>>
        tpu.wait_dma2 semaphore(%dma_wait3A_660 : memref<!tpu.dma_semaphore, #tpu.memory_space<semaphore_mem>>) src(%dma_wait3A_668 : memref<56x128xf32, #tpu.memory_space<vmem>>) dst(%dma_wait3A_664 : memref<56x128xf32, #tpu.memory_space<hbm>>)
      } else {
      }
      %add3A_197 = arith.constant 1 : i32
      %add3A_198 = arith.addi %add3A_172, %add3A_197 : i32
      %add3A_199 = arith.constant 0 : i32
      %add3A_200 = arith.addi %add3A_198, %add3A_199 : i32
      %mul3A_201 = arith.constant 56 : i32
      %mul3A_202 = arith.muli %add3A_200, %mul3A_201 : i32
      %dma_start3A_203 = arith.constant 1 : i32
      %dma_start3A_204 = arith.constant 1 : i32
      %dma_start3A_205 = arith.constant 0 : i32
      %dma_start3A_206 = arith.constant 0 : i32
      %dma_start3A_207 = tpu.memref_slice %arg6[%dma_start3A_203, %dma_start3A_205, %dma_start3A_206] : memref<8x56x128xf32, #tpu.memory_space<vmem>> -> memref<1x50x128xf32, #tpu.memory_space<vmem>>
      %dma_start3A_208 = tpu.memref_squeeze %dma_start3A_207 : memref<1x50x128xf32, #tpu.memory_space<vmem>> -> memref<50x128xf32, #tpu.memory_space<vmem>>
      %dma_start3A_209 = tpu.memref_slice %arg5[%mul3A_202] : memref<28672xi32, #tpu.memory_space<vmem>> -> memref<50xi32, #tpu.memory_space<vmem>>
      %dma_start3A_210 = arith.constant 0 : i32
      %dma_start3A_211 = arith.constant 0 : i32
      %dma_start3A_212 = tpu.memref_slice %arg2[%dma_start3A_210, %dma_start3A_211] : memref<1000000x128xf32, #tpu.memory_space<hbm>> -> memref<1000000x128xf32, #tpu.memory_space<hbm>>
      %dma_start3A_213 = tpu.memref_slice %arg7[%dma_start3A_204] : memref<8x!tpu.dma_semaphore, #tpu.memory_space<semaphore_mem>> -> memref<1x!tpu.dma_semaphore, #tpu.memory_space<semaphore_mem>>
      %dma_start3A_214 = tpu.memref_squeeze %dma_start3A_213 : memref<1x!tpu.dma_semaphore, #tpu.memory_space<semaphore_mem>> -> memref<!tpu.dma_semaphore, #tpu.memory_space<semaphore_mem>>
      tpu.enqueue_indirect_dma source(%dma_start3A_212 : memref<1000000x128xf32, #tpu.memory_space<hbm>>) target(%dma_start3A_208 : memref<50x128xf32, #tpu.memory_space<vmem>>) offsets(%dma_start3A_209 : memref<50xi32, #tpu.memory_space<vmem>>) semaphore(%dma_start3A_214 : memref<!tpu.dma_semaphore, #tpu.memory_space<semaphore_mem>>)
      %gt3A_215 = arith.constant 0 : i32
      %gt3A_216 = arith.cmpi sgt, %add3A_172, %gt3A_215 : i32
      %convert_element_type3A_217 = arith.extui %gt3A_216 : i1 to i32
      %cond3A_218 = arith.constant 0 : i32
      %cond3A_219 = arith.cmpi ne, %convert_element_type3A_217, %cond3A_218 : i32
      scf.if %cond3A_219 {
        %dma_wait3A_649 = arith.constant 2 : i32
        %dma_wait3A_650 = arith.constant 2 : i32
        %dma_wait3A_651 = arith.constant 0 : i32
        %dma_wait3A_652 = arith.constant 0 : i32
        %dma_wait3A_653 = tpu.memref_slice %arg6[%dma_wait3A_649, %dma_wait3A_651, %dma_wait3A_652] : memref<8x56x128xf32, #tpu.memory_space<vmem>> -> memref<1x56x128xf32, #tpu.memory_space<vmem>>
        %dma_wait3A_654 = tpu.memref_squeeze %dma_wait3A_653 : memref<1x56x128xf32, #tpu.memory_space<vmem>> -> memref<56x128xf32, #tpu.memory_space<vmem>>
        %dma_wait3A_655 = arith.constant 0 : i32
        %dma_wait3A_656 = arith.constant 0 : i32
        %dma_wait3A_657 = tpu.memref_slice %arg4[%mul3A_4, %dma_wait3A_655, %dma_wait3A_656] : memref<16384x56x128xf32, #tpu.memory_space<hbm>> -> memref<1x56x128xf32, #tpu.memory_space<hbm>>
        %dma_wait3A_658 = tpu.memref_squeeze %dma_wait3A_657 : memref<1x56x128xf32, #tpu.memory_space<hbm>> -> memref<56x128xf32, #tpu.memory_space<hbm>>
        %dma_wait3A_659 = tpu.memref_slice %arg8[%dma_wait3A_650] : memref<8x!tpu.dma_semaphore, #tpu.memory_space<semaphore_mem>> -> memref<1x!tpu.dma_semaphore, #tpu.memory_space<semaphore_mem>>
        %dma_wait3A_660 = tpu.memref_squeeze %dma_wait3A_659 : memref<1x!tpu.dma_semaphore, #tpu.memory_space<semaphore_mem>> -> memref<!tpu.dma_semaphore, #tpu.memory_space<semaphore_mem>>
        %dma_wait3A_661 = arith.constant 0 : i32
        %dma_wait3A_662 = arith.constant 0 : i32
        %dma_wait3A_663 = tpu.memref_slice %arg4[%mul3A_4, %dma_wait3A_661, %dma_wait3A_662] : memref<16384x56x128xf32, #tpu.memory_space<hbm>> -> memref<1x56x128xf32, #tpu.memory_space<hbm>>
        %dma_wait3A_664 = tpu.memref_squeeze %dma_wait3A_663 : memref<1x56x128xf32, #tpu.memory_space<hbm>> -> memref<56x128xf32, #tpu.memory_space<hbm>>
        %dma_wait3A_665 = arith.constant 0 : i32
        %dma_wait3A_666 = arith.constant 0 : i32
        %dma_wait3A_667 = tpu.memref_slice %arg6[%dma_wait3A_649, %dma_wait3A_665, %dma_wait3A_666] : memref<8x56x128xf32, #tpu.memory_space<vmem>> -> memref<1x56x128xf32, #tpu.memory_space<vmem>>
        %dma_wait3A_668 = tpu.memref_squeeze %dma_wait3A_667 : memref<1x56x128xf32, #tpu.memory_space<vmem>> -> memref<56x128xf32, #tpu.memory_space<vmem>>
        tpu.wait_dma2 semaphore(%dma_wait3A_660 : memref<!tpu.dma_semaphore, #tpu.memory_space<semaphore_mem>>) src(%dma_wait3A_668 : memref<56x128xf32, #tpu.memory_space<vmem>>) dst(%dma_wait3A_664 : memref<56x128xf32, #tpu.memory_space<hbm>>)
      } else {
      }
      %add3A_220 = arith.constant 2 : i32
      %add3A_221 = arith.addi %add3A_172, %add3A_220 : i32
      %add3A_222 = arith.constant 0 : i32
      %add3A_223 = arith.addi %add3A_221, %add3A_222 : i32
      %mul3A_224 = arith.constant 56 : i32
      %mul3A_225 = arith.muli %add3A_223, %mul3A_224 : i32
      %dma_start3A_226 = arith.constant 2 : i32
      %dma_start3A_227 = arith.constant 2 : i32
      %dma_start3A_228 = arith.constant 0 : i32
      %dma_start3A_229 = arith.constant 0 : i32
      %dma_start3A_230 = tpu.memref_slice %arg6[%dma_start3A_226, %dma_start3A_228, %dma_start3A_229] : memref<8x56x128xf32, #tpu.memory_space<vmem>> -> memref<1x50x128xf32, #tpu.memory_space<vmem>>
      %dma_start3A_231 = tpu.memref_squeeze %dma_start3A_230 : memref<1x50x128xf32, #tpu.memory_space<vmem>> -> memref<50x128xf32, #tpu.memory_space<vmem>>
      %dma_start3A_232 = tpu.memref_slice %arg5[%mul3A_225] : memref<28672xi32, #tpu.memory_space<vmem>> -> memref<50xi32, #tpu.memory_space<vmem>>
      %dma_start3A_233 = arith.constant 0 : i32
      %dma_start3A_234 = arith.constant 0 : i32
      %dma_start3A_235 = tpu.memref_slice %arg2[%dma_start3A_233, %dma_start3A_234] : memref<1000000x128xf32, #tpu.memory_space<hbm>> -> memref<1000000x128xf32, #tpu.memory_space<hbm>>
      %dma_start3A_236 = tpu.memref_slice %arg7[%dma_start3A_227] : memref<8x!tpu.dma_semaphore, #tpu.memory_space<semaphore_mem>> -> memref<1x!tpu.dma_semaphore, #tpu.memory_space<semaphore_mem>>
      %dma_start3A_237 = tpu.memref_squeeze %dma_start3A_236 : memref<1x!tpu.dma_semaphore, #tpu.memory_space<semaphore_mem>> -> memref<!tpu.dma_semaphore, #tpu.memory_space<semaphore_mem>>
      tpu.enqueue_indirect_dma source(%dma_start3A_235 : memref<1000000x128xf32, #tpu.memory_space<hbm>>) target(%dma_start3A_231 : memref<50x128xf32, #tpu.memory_space<vmem>>) offsets(%dma_start3A_232 : memref<50xi32, #tpu.memory_space<vmem>>) semaphore(%dma_start3A_237 : memref<!tpu.dma_semaphore, #tpu.memory_space<semaphore_mem>>)
      %gt3A_238 = arith.constant 0 : i32
      %gt3A_239 = arith.cmpi sgt, %add3A_172, %gt3A_238 : i32
      %convert_element_type3A_240 = arith.extui %gt3A_239 : i1 to i32
      %cond3A_241 = arith.constant 0 : i32
      %cond3A_242 = arith.cmpi ne, %convert_element_type3A_240, %cond3A_241 : i32
      scf.if %cond3A_242 {
        %dma_wait3A_649 = arith.constant 3 : i32
        %dma_wait3A_650 = arith.constant 3 : i32
        %dma_wait3A_651 = arith.constant 0 : i32
        %dma_wait3A_652 = arith.constant 0 : i32
        %dma_wait3A_653 = tpu.memref_slice %arg6[%dma_wait3A_649, %dma_wait3A_651, %dma_wait3A_652] : memref<8x56x128xf32, #tpu.memory_space<vmem>> -> memref<1x56x128xf32, #tpu.memory_space<vmem>>
        %dma_wait3A_654 = tpu.memref_squeeze %dma_wait3A_653 : memref<1x56x128xf32, #tpu.memory_space<vmem>> -> memref<56x128xf32, #tpu.memory_space<vmem>>
        %dma_wait3A_655 = arith.constant 0 : i32
        %dma_wait3A_656 = arith.constant 0 : i32
        %dma_wait3A_657 = tpu.memref_slice %arg4[%mul3A_4, %dma_wait3A_655, %dma_wait3A_656] : memref<16384x56x128xf32, #tpu.memory_space<hbm>> -> memref<1x56x128xf32, #tpu.memory_space<hbm>>
        %dma_wait3A_658 = tpu.memref_squeeze %dma_wait3A_657 : memref<1x56x128xf32, #tpu.memory_space<hbm>> -> memref<56x128xf32, #tpu.memory_space<hbm>>
        %dma_wait3A_659 = tpu.memref_slice %arg8[%dma_wait3A_650] : memref<8x!tpu.dma_semaphore, #tpu.memory_space<semaphore_mem>> -> memref<1x!tpu.dma_semaphore, #tpu.memory_space<semaphore_mem>>
        %dma_wait3A_660 = tpu.memref_squeeze %dma_wait3A_659 : memref<1x!tpu.dma_semaphore, #tpu.memory_space<semaphore_mem>> -> memref<!tpu.dma_semaphore, #tpu.memory_space<semaphore_mem>>
        %dma_wait3A_661 = arith.constant 0 : i32
        %dma_wait3A_662 = arith.constant 0 : i32
        %dma_wait3A_663 = tpu.memref_slice %arg4[%mul3A_4, %dma_wait3A_661, %dma_wait3A_662] : memref<16384x56x128xf32, #tpu.memory_space<hbm>> -> memref<1x56x128xf32, #tpu.memory_space<hbm>>
        %dma_wait3A_664 = tpu.memref_squeeze %dma_wait3A_663 : memref<1x56x128xf32, #tpu.memory_space<hbm>> -> memref<56x128xf32, #tpu.memory_space<hbm>>
        %dma_wait3A_665 = arith.constant 0 : i32
        %dma_wait3A_666 = arith.constant 0 : i32
        %dma_wait3A_667 = tpu.memref_slice %arg6[%dma_wait3A_649, %dma_wait3A_665, %dma_wait3A_666] : memref<8x56x128xf32, #tpu.memory_space<vmem>> -> memref<1x56x128xf32, #tpu.memory_space<vmem>>
        %dma_wait3A_668 = tpu.memref_squeeze %dma_wait3A_667 : memref<1x56x128xf32, #tpu.memory_space<vmem>> -> memref<56x128xf32, #tpu.memory_space<vmem>>
        tpu.wait_dma2 semaphore(%dma_wait3A_660 : memref<!tpu.dma_semaphore, #tpu.memory_space<semaphore_mem>>) src(%dma_wait3A_668 : memref<56x128xf32, #tpu.memory_space<vmem>>) dst(%dma_wait3A_664 : memref<56x128xf32, #tpu.memory_space<hbm>>)
      } else {
      }
      %add3A_243 = arith.constant 3 : i32
      %add3A_244 = arith.addi %add3A_172, %add3A_243 : i32
      %add3A_245 = arith.constant 0 : i32
      %add3A_246 = arith.addi %add3A_244, %add3A_245 : i32
      %mul3A_247 = arith.constant 56 : i32
      %mul3A_248 = arith.muli %add3A_246, %mul3A_247 : i32
      %dma_start3A_249 = arith.constant 3 : i32
      %dma_start3A_250 = arith.constant 3 : i32
      %dma_start3A_251 = arith.constant 0 : i32
      %dma_start3A_252 = arith.constant 0 : i32
      %dma_start3A_253 = tpu.memref_slice %arg6[%dma_start3A_249, %dma_start3A_251, %dma_start3A_252] : memref<8x56x128xf32, #tpu.memory_space<vmem>> -> memref<1x50x128xf32, #tpu.memory_space<vmem>>
      %dma_start3A_254 = tpu.memref_squeeze %dma_start3A_253 : memref<1x50x128xf32, #tpu.memory_space<vmem>> -> memref<50x128xf32, #tpu.memory_space<vmem>>
      %dma_start3A_255 = tpu.memref_slice %arg5[%mul3A_248] : memref<28672xi32, #tpu.memory_space<vmem>> -> memref<50xi32, #tpu.memory_space<vmem>>
      %dma_start3A_256 = arith.constant 0 : i32
      %dma_start3A_257 = arith.constant 0 : i32
      %dma_start3A_258 = tpu.memref_slice %arg2[%dma_start3A_256, %dma_start3A_257] : memref<1000000x128xf32, #tpu.memory_space<hbm>> -> memref<1000000x128xf32, #tpu.memory_space<hbm>>
      %dma_start3A_259 = tpu.memref_slice %arg7[%dma_start3A_250] : memref<8x!tpu.dma_semaphore, #tpu.memory_space<semaphore_mem>> -> memref<1x!tpu.dma_semaphore, #tpu.memory_space<semaphore_mem>>
      %dma_start3A_260 = tpu.memref_squeeze %dma_start3A_259 : memref<1x!tpu.dma_semaphore, #tpu.memory_space<semaphore_mem>> -> memref<!tpu.dma_semaphore, #tpu.memory_space<semaphore_mem>>
      tpu.enqueue_indirect_dma source(%dma_start3A_258 : memref<1000000x128xf32, #tpu.memory_space<hbm>>) target(%dma_start3A_254 : memref<50x128xf32, #tpu.memory_space<vmem>>) offsets(%dma_start3A_255 : memref<50xi32, #tpu.memory_space<vmem>>) semaphore(%dma_start3A_260 : memref<!tpu.dma_semaphore, #tpu.memory_space<semaphore_mem>>)
      %gt3A_261 = arith.constant 0 : i32
      %gt3A_262 = arith.cmpi sgt, %add3A_172, %gt3A_261 : i32
      %convert_element_type3A_263 = arith.extui %gt3A_262 : i1 to i32
      %cond3A_264 = arith.constant 0 : i32
      %cond3A_265 = arith.cmpi ne, %convert_element_type3A_263, %cond3A_264 : i32
      scf.if %cond3A_265 {
        %dma_wait3A_649 = arith.constant 4 : i32
        %dma_wait3A_650 = arith.constant 4 : i32
        %dma_wait3A_651 = arith.constant 0 : i32
        %dma_wait3A_652 = arith.constant 0 : i32
        %dma_wait3A_653 = tpu.memref_slice %arg6[%dma_wait3A_649, %dma_wait3A_651, %dma_wait3A_652] : memref<8x56x128xf32, #tpu.memory_space<vmem>> -> memref<1x56x128xf32, #tpu.memory_space<vmem>>
        %dma_wait3A_654 = tpu.memref_squeeze %dma_wait3A_653 : memref<1x56x128xf32, #tpu.memory_space<vmem>> -> memref<56x128xf32, #tpu.memory_space<vmem>>
        %dma_wait3A_655 = arith.constant 0 : i32
        %dma_wait3A_656 = arith.constant 0 : i32
        %dma_wait3A_657 = tpu.memref_slice %arg4[%mul3A_4, %dma_wait3A_655, %dma_wait3A_656] : memref<16384x56x128xf32, #tpu.memory_space<hbm>> -> memref<1x56x128xf32, #tpu.memory_space<hbm>>
        %dma_wait3A_658 = tpu.memref_squeeze %dma_wait3A_657 : memref<1x56x128xf32, #tpu.memory_space<hbm>> -> memref<56x128xf32, #tpu.memory_space<hbm>>
        %dma_wait3A_659 = tpu.memref_slice %arg8[%dma_wait3A_650] : memref<8x!tpu.dma_semaphore, #tpu.memory_space<semaphore_mem>> -> memref<1x!tpu.dma_semaphore, #tpu.memory_space<semaphore_mem>>
        %dma_wait3A_660 = tpu.memref_squeeze %dma_wait3A_659 : memref<1x!tpu.dma_semaphore, #tpu.memory_space<semaphore_mem>> -> memref<!tpu.dma_semaphore, #tpu.memory_space<semaphore_mem>>
        %dma_wait3A_661 = arith.constant 0 : i32
        %dma_wait3A_662 = arith.constant 0 : i32
        %dma_wait3A_663 = tpu.memref_slice %arg4[%mul3A_4, %dma_wait3A_661, %dma_wait3A_662] : memref<16384x56x128xf32, #tpu.memory_space<hbm>> -> memref<1x56x128xf32, #tpu.memory_space<hbm>>
        %dma_wait3A_664 = tpu.memref_squeeze %dma_wait3A_663 : memref<1x56x128xf32, #tpu.memory_space<hbm>> -> memref<56x128xf32, #tpu.memory_space<hbm>>
        %dma_wait3A_665 = arith.constant 0 : i32
        %dma_wait3A_666 = arith.constant 0 : i32
        %dma_wait3A_667 = tpu.memref_slice %arg6[%dma_wait3A_649, %dma_wait3A_665, %dma_wait3A_666] : memref<8x56x128xf32, #tpu.memory_space<vmem>> -> memref<1x56x128xf32, #tpu.memory_space<vmem>>
        %dma_wait3A_668 = tpu.memref_squeeze %dma_wait3A_667 : memref<1x56x128xf32, #tpu.memory_space<vmem>> -> memref<56x128xf32, #tpu.memory_space<vmem>>
        tpu.wait_dma2 semaphore(%dma_wait3A_660 : memref<!tpu.dma_semaphore, #tpu.memory_space<semaphore_mem>>) src(%dma_wait3A_668 : memref<56x128xf32, #tpu.memory_space<vmem>>) dst(%dma_wait3A_664 : memref<56x128xf32, #tpu.memory_space<hbm>>)
      } else {
      }
      %add3A_266 = arith.constant 4 : i32
      %add3A_267 = arith.addi %add3A_172, %add3A_266 : i32
      %add3A_268 = arith.constant 0 : i32
      %add3A_269 = arith.addi %add3A_267, %add3A_268 : i32
      %mul3A_270 = arith.constant 56 : i32
      %mul3A_271 = arith.muli %add3A_269, %mul3A_270 : i32
      %dma_start3A_272 = arith.constant 4 : i32
      %dma_start3A_273 = arith.constant 4 : i32
      %dma_start3A_274 = arith.constant 0 : i32
      %dma_start3A_275 = arith.constant 0 : i32
      %dma_start3A_276 = tpu.memref_slice %arg6[%dma_start3A_272, %dma_start3A_274, %dma_start3A_275] : memref<8x56x128xf32, #tpu.memory_space<vmem>> -> memref<1x50x128xf32, #tpu.memory_space<vmem>>
      %dma_start3A_277 = tpu.memref_squeeze %dma_start3A_276 : memref<1x50x128xf32, #tpu.memory_space<vmem>> -> memref<50x128xf32, #tpu.memory_space<vmem>>
      %dma_start3A_278 = tpu.memref_slice %arg5[%mul3A_271] : memref<28672xi32, #tpu.memory_space<vmem>> -> memref<50xi32, #tpu.memory_space<vmem>>
      %dma_start3A_279 = arith.constant 0 : i32
      %dma_start3A_280 = arith.constant 0 : i32
      %dma_start3A_281 = tpu.memref_slice %arg2[%dma_start3A_279, %dma_start3A_280] : memref<1000000x128xf32, #tpu.memory_space<hbm>> -> memref<1000000x128xf32, #tpu.memory_space<hbm>>
      %dma_start3A_282 = tpu.memref_slice %arg7[%dma_start3A_273] : memref<8x!tpu.dma_semaphore, #tpu.memory_space<semaphore_mem>> -> memref<1x!tpu.dma_semaphore, #tpu.memory_space<semaphore_mem>>
      %dma_start3A_283 = tpu.memref_squeeze %dma_start3A_282 : memref<1x!tpu.dma_semaphore, #tpu.memory_space<semaphore_mem>> -> memref<!tpu.dma_semaphore, #tpu.memory_space<semaphore_mem>>
      tpu.enqueue_indirect_dma source(%dma_start3A_281 : memref<1000000x128xf32, #tpu.memory_space<hbm>>) target(%dma_start3A_277 : memref<50x128xf32, #tpu.memory_space<vmem>>) offsets(%dma_start3A_278 : memref<50xi32, #tpu.memory_space<vmem>>) semaphore(%dma_start3A_283 : memref<!tpu.dma_semaphore, #tpu.memory_space<semaphore_mem>>)
      %gt3A_284 = arith.constant 0 : i32
      %gt3A_285 = arith.cmpi sgt, %add3A_172, %gt3A_284 : i32
      %convert_element_type3A_286 = arith.extui %gt3A_285 : i1 to i32
      %cond3A_287 = arith.constant 0 : i32
      %cond3A_288 = arith.cmpi ne, %convert_element_type3A_286, %cond3A_287 : i32
      scf.if %cond3A_288 {
        %dma_wait3A_649 = arith.constant 5 : i32
        %dma_wait3A_650 = arith.constant 5 : i32
        %dma_wait3A_651 = arith.constant 0 : i32
        %dma_wait3A_652 = arith.constant 0 : i32
        %dma_wait3A_653 = tpu.memref_slice %arg6[%dma_wait3A_649, %dma_wait3A_651, %dma_wait3A_652] : memref<8x56x128xf32, #tpu.memory_space<vmem>> -> memref<1x56x128xf32, #tpu.memory_space<vmem>>
        %dma_wait3A_654 = tpu.memref_squeeze %dma_wait3A_653 : memref<1x56x128xf32, #tpu.memory_space<vmem>> -> memref<56x128xf32, #tpu.memory_space<vmem>>
        %dma_wait3A_655 = arith.constant 0 : i32
        %dma_wait3A_656 = arith.constant 0 : i32
        %dma_wait3A_657 = tpu.memref_slice %arg4[%mul3A_4, %dma_wait3A_655, %dma_wait3A_656] : memref<16384x56x128xf32, #tpu.memory_space<hbm>> -> memref<1x56x128xf32, #tpu.memory_space<hbm>>
        %dma_wait3A_658 = tpu.memref_squeeze %dma_wait3A_657 : memref<1x56x128xf32, #tpu.memory_space<hbm>> -> memref<56x128xf32, #tpu.memory_space<hbm>>
        %dma_wait3A_659 = tpu.memref_slice %arg8[%dma_wait3A_650] : memref<8x!tpu.dma_semaphore, #tpu.memory_space<semaphore_mem>> -> memref<1x!tpu.dma_semaphore, #tpu.memory_space<semaphore_mem>>
        %dma_wait3A_660 = tpu.memref_squeeze %dma_wait3A_659 : memref<1x!tpu.dma_semaphore, #tpu.memory_space<semaphore_mem>> -> memref<!tpu.dma_semaphore, #tpu.memory_space<semaphore_mem>>
        %dma_wait3A_661 = arith.constant 0 : i32
        %dma_wait3A_662 = arith.constant 0 : i32
        %dma_wait3A_663 = tpu.memref_slice %arg4[%mul3A_4, %dma_wait3A_661, %dma_wait3A_662] : memref<16384x56x128xf32, #tpu.memory_space<hbm>> -> memref<1x56x128xf32, #tpu.memory_space<hbm>>
        %dma_wait3A_664 = tpu.memref_squeeze %dma_wait3A_663 : memref<1x56x128xf32, #tpu.memory_space<hbm>> -> memref<56x128xf32, #tpu.memory_space<hbm>>
        %dma_wait3A_665 = arith.constant 0 : i32
        %dma_wait3A_666 = arith.constant 0 : i32
        %dma_wait3A_667 = tpu.memref_slice %arg6[%dma_wait3A_649, %dma_wait3A_665, %dma_wait3A_666] : memref<8x56x128xf32, #tpu.memory_space<vmem>> -> memref<1x56x128xf32, #tpu.memory_space<vmem>>
        %dma_wait3A_668 = tpu.memref_squeeze %dma_wait3A_667 : memref<1x56x128xf32, #tpu.memory_space<vmem>> -> memref<56x128xf32, #tpu.memory_space<vmem>>
        tpu.wait_dma2 semaphore(%dma_wait3A_660 : memref<!tpu.dma_semaphore, #tpu.memory_space<semaphore_mem>>) src(%dma_wait3A_668 : memref<56x128xf32, #tpu.memory_space<vmem>>) dst(%dma_wait3A_664 : memref<56x128xf32, #tpu.memory_space<hbm>>)
      } else {
      }
      %add3A_289 = arith.constant 5 : i32
      %add3A_290 = arith.addi %add3A_172, %add3A_289 : i32
      %add3A_291 = arith.constant 0 : i32
      %add3A_292 = arith.addi %add3A_290, %add3A_291 : i32
      %mul3A_293 = arith.constant 56 : i32
      %mul3A_294 = arith.muli %add3A_292, %mul3A_293 : i32
      %dma_start3A_295 = arith.constant 5 : i32
      %dma_start3A_296 = arith.constant 5 : i32
      %dma_start3A_297 = arith.constant 0 : i32
      %dma_start3A_298 = arith.constant 0 : i32
      %dma_start3A_299 = tpu.memref_slice %arg6[%dma_start3A_295, %dma_start3A_297, %dma_start3A_298] : memref<8x56x128xf32, #tpu.memory_space<vmem>> -> memref<1x50x128xf32, #tpu.memory_space<vmem>>
      %dma_start3A_300 = tpu.memref_squeeze %dma_start3A_299 : memref<1x50x128xf32, #tpu.memory_space<vmem>> -> memref<50x128xf32, #tpu.memory_space<vmem>>
      %dma_start3A_301 = tpu.memref_slice %arg5[%mul3A_294] : memref<28672xi32, #tpu.memory_space<vmem>> -> memref<50xi32, #tpu.memory_space<vmem>>
      %dma_start3A_302 = arith.constant 0 : i32
      %dma_start3A_303 = arith.constant 0 : i32
      %dma_start3A_304 = tpu.memref_slice %arg2[%dma_start3A_302, %dma_start3A_303] : memref<1000000x128xf32, #tpu.memory_space<hbm>> -> memref<1000000x128xf32, #tpu.memory_space<hbm>>
      %dma_start3A_305 = tpu.memref_slice %arg7[%dma_start3A_296] : memref<8x!tpu.dma_semaphore, #tpu.memory_space<semaphore_mem>> -> memref<1x!tpu.dma_semaphore, #tpu.memory_space<semaphore_mem>>
      %dma_start3A_306 = tpu.memref_squeeze %dma_start3A_305 : memref<1x!tpu.dma_semaphore, #tpu.memory_space<semaphore_mem>> -> memref<!tpu.dma_semaphore, #tpu.memory_space<semaphore_mem>>
      tpu.enqueue_indirect_dma source(%dma_start3A_304 : memref<1000000x128xf32, #tpu.memory_space<hbm>>) target(%dma_start3A_300 : memref<50x128xf32, #tpu.memory_space<vmem>>) offsets(%dma_start3A_301 : memref<50xi32, #tpu.memory_space<vmem>>) semaphore(%dma_start3A_306 : memref<!tpu.dma_semaphore, #tpu.memory_space<semaphore_mem>>)
      %gt3A_307 = arith.constant 0 : i32
      %gt3A_308 = arith.cmpi sgt, %add3A_172, %gt3A_307 : i32
      %convert_element_type3A_309 = arith.extui %gt3A_308 : i1 to i32
      %cond3A_310 = arith.constant 0 : i32
      %cond3A_311 = arith.cmpi ne, %convert_element_type3A_309, %cond3A_310 : i32
      scf.if %cond3A_311 {
        %dma_wait3A_649 = arith.constant 6 : i32
        %dma_wait3A_650 = arith.constant 6 : i32
        %dma_wait3A_651 = arith.constant 0 : i32
        %dma_wait3A_652 = arith.constant 0 : i32
        %dma_wait3A_653 = tpu.memref_slice %arg6[%dma_wait3A_649, %dma_wait3A_651, %dma_wait3A_652] : memref<8x56x128xf32, #tpu.memory_space<vmem>> -> memref<1x56x128xf32, #tpu.memory_space<vmem>>
        %dma_wait3A_654 = tpu.memref_squeeze %dma_wait3A_653 : memref<1x56x128xf32, #tpu.memory_space<vmem>> -> memref<56x128xf32, #tpu.memory_space<vmem>>
        %dma_wait3A_655 = arith.constant 0 : i32
        %dma_wait3A_656 = arith.constant 0 : i32
        %dma_wait3A_657 = tpu.memref_slice %arg4[%mul3A_4, %dma_wait3A_655, %dma_wait3A_656] : memref<16384x56x128xf32, #tpu.memory_space<hbm>> -> memref<1x56x128xf32, #tpu.memory_space<hbm>>
        %dma_wait3A_658 = tpu.memref_squeeze %dma_wait3A_657 : memref<1x56x128xf32, #tpu.memory_space<hbm>> -> memref<56x128xf32, #tpu.memory_space<hbm>>
        %dma_wait3A_659 = tpu.memref_slice %arg8[%dma_wait3A_650] : memref<8x!tpu.dma_semaphore, #tpu.memory_space<semaphore_mem>> -> memref<1x!tpu.dma_semaphore, #tpu.memory_space<semaphore_mem>>
        %dma_wait3A_660 = tpu.memref_squeeze %dma_wait3A_659 : memref<1x!tpu.dma_semaphore, #tpu.memory_space<semaphore_mem>> -> memref<!tpu.dma_semaphore, #tpu.memory_space<semaphore_mem>>
        %dma_wait3A_661 = arith.constant 0 : i32
        %dma_wait3A_662 = arith.constant 0 : i32
        %dma_wait3A_663 = tpu.memref_slice %arg4[%mul3A_4, %dma_wait3A_661, %dma_wait3A_662] : memref<16384x56x128xf32, #tpu.memory_space<hbm>> -> memref<1x56x128xf32, #tpu.memory_space<hbm>>
        %dma_wait3A_664 = tpu.memref_squeeze %dma_wait3A_663 : memref<1x56x128xf32, #tpu.memory_space<hbm>> -> memref<56x128xf32, #tpu.memory_space<hbm>>
        %dma_wait3A_665 = arith.constant 0 : i32
        %dma_wait3A_666 = arith.constant 0 : i32
        %dma_wait3A_667 = tpu.memref_slice %arg6[%dma_wait3A_649, %dma_wait3A_665, %dma_wait3A_666] : memref<8x56x128xf32, #tpu.memory_space<vmem>> -> memref<1x56x128xf32, #tpu.memory_space<vmem>>
        %dma_wait3A_668 = tpu.memref_squeeze %dma_wait3A_667 : memref<1x56x128xf32, #tpu.memory_space<vmem>> -> memref<56x128xf32, #tpu.memory_space<vmem>>
        tpu.wait_dma2 semaphore(%dma_wait3A_660 : memref<!tpu.dma_semaphore, #tpu.memory_space<semaphore_mem>>) src(%dma_wait3A_668 : memref<56x128xf32, #tpu.memory_space<vmem>>) dst(%dma_wait3A_664 : memref<56x128xf32, #tpu.memory_space<hbm>>)
      } else {
      }
      %add3A_312 = arith.constant 6 : i32
      %add3A_313 = arith.addi %add3A_172, %add3A_312 : i32
      %add3A_314 = arith.constant 0 : i32
      %add3A_315 = arith.addi %add3A_313, %add3A_314 : i32
      %mul3A_316 = arith.constant 56 : i32
      %mul3A_317 = arith.muli %add3A_315, %mul3A_316 : i32
      %dma_start3A_318 = arith.constant 6 : i32
      %dma_start3A_319 = arith.constant 6 : i32
      %dma_start3A_320 = arith.constant 0 : i32
      %dma_start3A_321 = arith.constant 0 : i32
      %dma_start3A_322 = tpu.memref_slice %arg6[%dma_start3A_318, %dma_start3A_320, %dma_start3A_321] : memref<8x56x128xf32, #tpu.memory_space<vmem>> -> memref<1x50x128xf32, #tpu.memory_space<vmem>>
      %dma_start3A_323 = tpu.memref_squeeze %dma_start3A_322 : memref<1x50x128xf32, #tpu.memory_space<vmem>> -> memref<50x128xf32, #tpu.memory_space<vmem>>
      %dma_start3A_324 = tpu.memref_slice %arg5[%mul3A_317] : memref<28672xi32, #tpu.memory_space<vmem>> -> memref<50xi32, #tpu.memory_space<vmem>>
      %dma_start3A_325 = arith.constant 0 : i32
      %dma_start3A_326 = arith.constant 0 : i32
      %dma_start3A_327 = tpu.memref_slice %arg2[%dma_start3A_325, %dma_start3A_326] : memref<1000000x128xf32, #tpu.memory_space<hbm>> -> memref<1000000x128xf32, #tpu.memory_space<hbm>>
      %dma_start3A_328 = tpu.memref_slice %arg7[%dma_start3A_319] : memref<8x!tpu.dma_semaphore, #tpu.memory_space<semaphore_mem>> -> memref<1x!tpu.dma_semaphore, #tpu.memory_space<semaphore_mem>>
      %dma_start3A_329 = tpu.memref_squeeze %dma_start3A_328 : memref<1x!tpu.dma_semaphore, #tpu.memory_space<semaphore_mem>> -> memref<!tpu.dma_semaphore, #tpu.memory_space<semaphore_mem>>
      tpu.enqueue_indirect_dma source(%dma_start3A_327 : memref<1000000x128xf32, #tpu.memory_space<hbm>>) target(%dma_start3A_323 : memref<50x128xf32, #tpu.memory_space<vmem>>) offsets(%dma_start3A_324 : memref<50xi32, #tpu.memory_space<vmem>>) semaphore(%dma_start3A_329 : memref<!tpu.dma_semaphore, #tpu.memory_space<semaphore_mem>>)
      %gt3A_330 = arith.constant 0 : i32
      %gt3A_331 = arith.cmpi sgt, %add3A_172, %gt3A_330 : i32
      %convert_element_type3A_332 = arith.extui %gt3A_331 : i1 to i32
      %cond3A_333 = arith.constant 0 : i32
      %cond3A_334 = arith.cmpi ne, %convert_element_type3A_332, %cond3A_333 : i32
      scf.if %cond3A_334 {
        %dma_wait3A_649 = arith.constant 7 : i32
        %dma_wait3A_650 = arith.constant 7 : i32
        %dma_wait3A_651 = arith.constant 0 : i32
        %dma_wait3A_652 = arith.constant 0 : i32
        %dma_wait3A_653 = tpu.memref_slice %arg6[%dma_wait3A_649, %dma_wait3A_651, %dma_wait3A_652] : memref<8x56x128xf32, #tpu.memory_space<vmem>> -> memref<1x56x128xf32, #tpu.memory_space<vmem>>
        %dma_wait3A_654 = tpu.memref_squeeze %dma_wait3A_653 : memref<1x56x128xf32, #tpu.memory_space<vmem>> -> memref<56x128xf32, #tpu.memory_space<vmem>>
        %dma_wait3A_655 = arith.constant 0 : i32
        %dma_wait3A_656 = arith.constant 0 : i32
        %dma_wait3A_657 = tpu.memref_slice %arg4[%mul3A_4, %dma_wait3A_655, %dma_wait3A_656] : memref<16384x56x128xf32, #tpu.memory_space<hbm>> -> memref<1x56x128xf32, #tpu.memory_space<hbm>>
        %dma_wait3A_658 = tpu.memref_squeeze %dma_wait3A_657 : memref<1x56x128xf32, #tpu.memory_space<hbm>> -> memref<56x128xf32, #tpu.memory_space<hbm>>
        %dma_wait3A_659 = tpu.memref_slice %arg8[%dma_wait3A_650] : memref<8x!tpu.dma_semaphore, #tpu.memory_space<semaphore_mem>> -> memref<1x!tpu.dma_semaphore, #tpu.memory_space<semaphore_mem>>
        %dma_wait3A_660 = tpu.memref_squeeze %dma_wait3A_659 : memref<1x!tpu.dma_semaphore, #tpu.memory_space<semaphore_mem>> -> memref<!tpu.dma_semaphore, #tpu.memory_space<semaphore_mem>>
        %dma_wait3A_661 = arith.constant 0 : i32
        %dma_wait3A_662 = arith.constant 0 : i32
        %dma_wait3A_663 = tpu.memref_slice %arg4[%mul3A_4, %dma_wait3A_661, %dma_wait3A_662] : memref<16384x56x128xf32, #tpu.memory_space<hbm>> -> memref<1x56x128xf32, #tpu.memory_space<hbm>>
        %dma_wait3A_664 = tpu.memref_squeeze %dma_wait3A_663 : memref<1x56x128xf32, #tpu.memory_space<hbm>> -> memref<56x128xf32, #tpu.memory_space<hbm>>
        %dma_wait3A_665 = arith.constant 0 : i32
        %dma_wait3A_666 = arith.constant 0 : i32
        %dma_wait3A_667 = tpu.memref_slice %arg6[%dma_wait3A_649, %dma_wait3A_665, %dma_wait3A_666] : memref<8x56x128xf32, #tpu.memory_space<vmem>> -> memref<1x56x128xf32, #tpu.memory_space<vmem>>
        %dma_wait3A_668 = tpu.memref_squeeze %dma_wait3A_667 : memref<1x56x128xf32, #tpu.memory_space<vmem>> -> memref<56x128xf32, #tpu.memory_space<vmem>>
        tpu.wait_dma2 semaphore(%dma_wait3A_660 : memref<!tpu.dma_semaphore, #tpu.memory_space<semaphore_mem>>) src(%dma_wait3A_668 : memref<56x128xf32, #tpu.memory_space<vmem>>) dst(%dma_wait3A_664 : memref<56x128xf32, #tpu.memory_space<hbm>>)
      } else {
      }
      %add3A_335 = arith.constant 7 : i32
      %add3A_336 = arith.addi %add3A_172, %add3A_335 : i32
      %add3A_337 = arith.constant 0 : i32
      %add3A_338 = arith.addi %add3A_336, %add3A_337 : i32
      %mul3A_339 = arith.constant 56 : i32
      %mul3A_340 = arith.muli %add3A_338, %mul3A_339 : i32
      %dma_start3A_341 = arith.constant 7 : i32
      %dma_start3A_342 = arith.constant 7 : i32
      %dma_start3A_343 = arith.constant 0 : i32
      %dma_start3A_344 = arith.constant 0 : i32
      %dma_start3A_345 = tpu.memref_slice %arg6[%dma_start3A_341, %dma_start3A_343, %dma_start3A_344] : memref<8x56x128xf32, #tpu.memory_space<vmem>> -> memref<1x50x128xf32, #tpu.memory_space<vmem>>
      %dma_start3A_346 = tpu.memref_squeeze %dma_start3A_345 : memref<1x50x128xf32, #tpu.memory_space<vmem>> -> memref<50x128xf32, #tpu.memory_space<vmem>>
      %dma_start3A_347 = tpu.memref_slice %arg5[%mul3A_340] : memref<28672xi32, #tpu.memory_space<vmem>> -> memref<50xi32, #tpu.memory_space<vmem>>
      %dma_start3A_348 = arith.constant 0 : i32
      %dma_start3A_349 = arith.constant 0 : i32
      %dma_start3A_350 = tpu.memref_slice %arg2[%dma_start3A_348, %dma_start3A_349] : memref<1000000x128xf32, #tpu.memory_space<hbm>> -> memref<1000000x128xf32, #tpu.memory_space<hbm>>
      %dma_start3A_351 = tpu.memref_slice %arg7[%dma_start3A_342] : memref<8x!tpu.dma_semaphore, #tpu.memory_space<semaphore_mem>> -> memref<1x!tpu.dma_semaphore, #tpu.memory_space<semaphore_mem>>
      %dma_start3A_352 = tpu.memref_squeeze %dma_start3A_351 : memref<1x!tpu.dma_semaphore, #tpu.memory_space<semaphore_mem>> -> memref<!tpu.dma_semaphore, #tpu.memory_space<semaphore_mem>>
      tpu.enqueue_indirect_dma source(%dma_start3A_350 : memref<1000000x128xf32, #tpu.memory_space<hbm>>) target(%dma_start3A_346 : memref<50x128xf32, #tpu.memory_space<vmem>>) offsets(%dma_start3A_347 : memref<50xi32, #tpu.memory_space<vmem>>) semaphore(%dma_start3A_352 : memref<!tpu.dma_semaphore, #tpu.memory_space<semaphore_mem>>)
      %dma_wait3A_353 = arith.constant 0 : i32
      %dma_wait3A_354 = arith.constant 0 : i32
      %dma_wait3A_355 = arith.constant 0 : i32
      %dma_wait3A_356 = arith.constant 0 : i32
      %dma_wait3A_357 = tpu.memref_slice %arg6[%dma_wait3A_353, %dma_wait3A_355, %dma_wait3A_356] : memref<8x56x128xf32, #tpu.memory_space<vmem>> -> memref<1x50x128xf32, #tpu.memory_space<vmem>>
      %dma_wait3A_358 = tpu.memref_squeeze %dma_wait3A_357 : memref<1x50x128xf32, #tpu.memory_space<vmem>> -> memref<50x128xf32, #tpu.memory_space<vmem>>
      %dma_wait3A_359 = tpu.memref_slice %arg5[%mul3A_180] : memref<28672xi32, #tpu.memory_space<vmem>> -> memref<50xi32, #tpu.memory_space<vmem>>
      %dma_wait3A_360 = arith.constant 0 : i32
      %dma_wait3A_361 = arith.constant 0 : i32
      %dma_wait3A_362 = tpu.memref_slice %arg2[%dma_wait3A_360, %dma_wait3A_361] : memref<1000000x128xf32, #tpu.memory_space<hbm>> -> memref<1000000x128xf32, #tpu.memory_space<hbm>>
      %dma_wait3A_363 = tpu.memref_slice %arg7[%dma_wait3A_354] : memref<8x!tpu.dma_semaphore, #tpu.memory_space<semaphore_mem>> -> memref<1x!tpu.dma_semaphore, #tpu.memory_space<semaphore_mem>>
      %dma_wait3A_364 = tpu.memref_squeeze %dma_wait3A_363 : memref<1x!tpu.dma_semaphore, #tpu.memory_space<semaphore_mem>> -> memref<!tpu.dma_semaphore, #tpu.memory_space<semaphore_mem>>
      tpu.wait_indirect_dma semaphore(%dma_wait3A_364 : memref<!tpu.dma_semaphore, #tpu.memory_space<semaphore_mem>>) src(%dma_wait3A_362 : memref<1000000x128xf32, #tpu.memory_space<hbm>>) dst(%dma_wait3A_358 : memref<50x128xf32, #tpu.memory_space<vmem>>)
      %add3A_365 = arith.addi %mul3A_4, %add3A_172 : i32
      %add3A_366 = arith.constant 0 : i32
      %add3A_367 = arith.addi %add3A_365, %add3A_366 : i32
      %add3A_368 = arith.constant 0 : i32
      %add3A_369 = arith.addi %add3A_367, %add3A_368 : i32
      %dma_start3A_370 = arith.constant 0 : i32
      %dma_start3A_371 = arith.constant 0 : i32
      %dma_start3A_372 = arith.constant 0 : i32
      %dma_start3A_373 = arith.constant 0 : i32
      %dma_start3A_374 = tpu.memref_slice %arg6[%dma_start3A_370, %dma_start3A_372, %dma_start3A_373] : memref<8x56x128xf32, #tpu.memory_space<vmem>> -> memref<1x56x128xf32, #tpu.memory_space<vmem>>
      %dma_start3A_375 = tpu.memref_squeeze %dma_start3A_374 : memref<1x56x128xf32, #tpu.memory_space<vmem>> -> memref<56x128xf32, #tpu.memory_space<vmem>>
      %dma_start3A_376 = arith.constant 0 : i32
      %dma_start3A_377 = arith.constant 0 : i32
      %dma_start3A_378 = tpu.memref_slice %arg4[%add3A_369, %dma_start3A_376, %dma_start3A_377] : memref<16384x56x128xf32, #tpu.memory_space<hbm>> -> memref<1x56x128xf32, #tpu.memory_space<hbm>>
      %dma_start3A_379 = tpu.memref_squeeze %dma_start3A_378 : memref<1x56x128xf32, #tpu.memory_space<hbm>> -> memref<56x128xf32, #tpu.memory_space<hbm>>
      %dma_start3A_380 = tpu.memref_slice %arg8[%dma_start3A_371] : memref<8x!tpu.dma_semaphore, #tpu.memory_space<semaphore_mem>> -> memref<1x!tpu.dma_semaphore, #tpu.memory_space<semaphore_mem>>
      %dma_start3A_381 = tpu.memref_squeeze %dma_start3A_380 : memref<1x!tpu.dma_semaphore, #tpu.memory_space<semaphore_mem>> -> memref<!tpu.dma_semaphore, #tpu.memory_space<semaphore_mem>>
      %dma_start3A_382 = arith.constant 0 : i32
      %dma_start3A_383 = arith.constant 0 : i32
      %dma_start3A_384 = tpu.memref_slice %arg4[%add3A_369, %dma_start3A_382, %dma_start3A_383] : memref<16384x56x128xf32, #tpu.memory_space<hbm>> -> memref<1x56x128xf32, #tpu.memory_space<hbm>>
      %dma_start3A_385 = tpu.memref_squeeze %dma_start3A_384 : memref<1x56x128xf32, #tpu.memory_space<hbm>> -> memref<56x128xf32, #tpu.memory_space<hbm>>
      %dma_start3A_386 = arith.constant 0 : i32
      %dma_start3A_387 = arith.constant 0 : i32
      %dma_start3A_388 = tpu.memref_slice %arg6[%dma_start3A_370, %dma_start3A_386, %dma_start3A_387] : memref<8x56x128xf32, #tpu.memory_space<vmem>> -> memref<1x56x128xf32, #tpu.memory_space<vmem>>
      %dma_start3A_389 = tpu.memref_squeeze %dma_start3A_388 : memref<1x56x128xf32, #tpu.memory_space<vmem>> -> memref<56x128xf32, #tpu.memory_space<vmem>>
      tpu.enqueue_dma source(%dma_start3A_389 : memref<56x128xf32, #tpu.memory_space<vmem>>) target(%dma_start3A_385 : memref<56x128xf32, #tpu.memory_space<hbm>>) target_semaphore(%dma_start3A_381 : memref<!tpu.dma_semaphore, #tpu.memory_space<semaphore_mem>>)
      %dma_wait3A_390 = arith.constant 1 : i32
      %dma_wait3A_391 = arith.constant 1 : i32
      %dma_wait3A_392 = arith.constant 0 : i32
      %dma_wait3A_393 = arith.constant 0 : i32
      %dma_wait3A_394 = tpu.memref_slice %arg6[%dma_wait3A_390, %dma_wait3A_392, %dma_wait3A_393] : memref<8x56x128xf32, #tpu.memory_space<vmem>> -> memref<1x50x128xf32, #tpu.memory_space<vmem>>
      %dma_wait3A_395 = tpu.memref_squeeze %dma_wait3A_394 : memref<1x50x128xf32, #tpu.memory_space<vmem>> -> memref<50x128xf32, #tpu.memory_space<vmem>>
      %dma_wait3A_396 = tpu.memref_slice %arg5[%mul3A_202] : memref<28672xi32, #tpu.memory_space<vmem>> -> memref<50xi32, #tpu.memory_space<vmem>>
      %dma_wait3A_397 = arith.constant 0 : i32
      %dma_wait3A_398 = arith.constant 0 : i32
      %dma_wait3A_399 = tpu.memref_slice %arg2[%dma_wait3A_397, %dma_wait3A_398] : memref<1000000x128xf32, #tpu.memory_space<hbm>> -> memref<1000000x128xf32, #tpu.memory_space<hbm>>
      %dma_wait3A_400 = tpu.memref_slice %arg7[%dma_wait3A_391] : memref<8x!tpu.dma_semaphore, #tpu.memory_space<semaphore_mem>> -> memref<1x!tpu.dma_semaphore, #tpu.memory_space<semaphore_mem>>
      %dma_wait3A_401 = tpu.memref_squeeze %dma_wait3A_400 : memref<1x!tpu.dma_semaphore, #tpu.memory_space<semaphore_mem>> -> memref<!tpu.dma_semaphore, #tpu.memory_space<semaphore_mem>>
      tpu.wait_indirect_dma semaphore(%dma_wait3A_401 : memref<!tpu.dma_semaphore, #tpu.memory_space<semaphore_mem>>) src(%dma_wait3A_399 : memref<1000000x128xf32, #tpu.memory_space<hbm>>) dst(%dma_wait3A_395 : memref<50x128xf32, #tpu.memory_space<vmem>>)
      %add3A_402 = arith.addi %mul3A_4, %add3A_172 : i32
      %add3A_403 = arith.constant 1 : i32
      %add3A_404 = arith.addi %add3A_402, %add3A_403 : i32
      %add3A_405 = arith.constant 0 : i32
      %add3A_406 = arith.addi %add3A_404, %add3A_405 : i32
      %dma_start3A_407 = arith.constant 1 : i32
      %dma_start3A_408 = arith.constant 1 : i32
      %dma_start3A_409 = arith.constant 0 : i32
      %dma_start3A_410 = arith.constant 0 : i32
      %dma_start3A_411 = tpu.memref_slice %arg6[%dma_start3A_407, %dma_start3A_409, %dma_start3A_410] : memref<8x56x128xf32, #tpu.memory_space<vmem>> -> memref<1x56x128xf32, #tpu.memory_space<vmem>>
      %dma_start3A_412 = tpu.memref_squeeze %dma_start3A_411 : memref<1x56x128xf32, #tpu.memory_space<vmem>> -> memref<56x128xf32, #tpu.memory_space<vmem>>
      %dma_start3A_413 = arith.constant 0 : i32
      %dma_start3A_414 = arith.constant 0 : i32
      %dma_start3A_415 = tpu.memref_slice %arg4[%add3A_406, %dma_start3A_413, %dma_start3A_414] : memref<16384x56x128xf32, #tpu.memory_space<hbm>> -> memref<1x56x128xf32, #tpu.memory_space<hbm>>
      %dma_start3A_416 = tpu.memref_squeeze %dma_start3A_415 : memref<1x56x128xf32, #tpu.memory_space<hbm>> -> memref<56x128xf32, #tpu.memory_space<hbm>>
      %dma_start3A_417 = tpu.memref_slice %arg8[%dma_start3A_408] : memref<8x!tpu.dma_semaphore, #tpu.memory_space<semaphore_mem>> -> memref<1x!tpu.dma_semaphore, #tpu.memory_space<semaphore_mem>>
      %dma_start3A_418 = tpu.memref_squeeze %dma_start3A_417 : memref<1x!tpu.dma_semaphore, #tpu.memory_space<semaphore_mem>> -> memref<!tpu.dma_semaphore, #tpu.memory_space<semaphore_mem>>
      %dma_start3A_419 = arith.constant 0 : i32
      %dma_start3A_420 = arith.constant 0 : i32
      %dma_start3A_421 = tpu.memref_slice %arg4[%add3A_406, %dma_start3A_419, %dma_start3A_420] : memref<16384x56x128xf32, #tpu.memory_space<hbm>> -> memref<1x56x128xf32, #tpu.memory_space<hbm>>
      %dma_start3A_422 = tpu.memref_squeeze %dma_start3A_421 : memref<1x56x128xf32, #tpu.memory_space<hbm>> -> memref<56x128xf32, #tpu.memory_space<hbm>>
      %dma_start3A_423 = arith.constant 0 : i32
      %dma_start3A_424 = arith.constant 0 : i32
      %dma_start3A_425 = tpu.memref_slice %arg6[%dma_start3A_407, %dma_start3A_423, %dma_start3A_424] : memref<8x56x128xf32, #tpu.memory_space<vmem>> -> memref<1x56x128xf32, #tpu.memory_space<vmem>>
      %dma_start3A_426 = tpu.memref_squeeze %dma_start3A_425 : memref<1x56x128xf32, #tpu.memory_space<vmem>> -> memref<56x128xf32, #tpu.memory_space<vmem>>
      tpu.enqueue_dma source(%dma_start3A_426 : memref<56x128xf32, #tpu.memory_space<vmem>>) target(%dma_start3A_422 : memref<56x128xf32, #tpu.memory_space<hbm>>) target_semaphore(%dma_start3A_418 : memref<!tpu.dma_semaphore, #tpu.memory_space<semaphore_mem>>)
      %dma_wait3A_427 = arith.constant 2 : i32
      %dma_wait3A_428 = arith.constant 2 : i32
      %dma_wait3A_429 = arith.constant 0 : i32
      %dma_wait3A_430 = arith.constant 0 : i32
      %dma_wait3A_431 = tpu.memref_slice %arg6[%dma_wait3A_427, %dma_wait3A_429, %dma_wait3A_430] : memref<8x56x128xf32, #tpu.memory_space<vmem>> -> memref<1x50x128xf32, #tpu.memory_space<vmem>>
      %dma_wait3A_432 = tpu.memref_squeeze %dma_wait3A_431 : memref<1x50x128xf32, #tpu.memory_space<vmem>> -> memref<50x128xf32, #tpu.memory_space<vmem>>
      %dma_wait3A_433 = tpu.memref_slice %arg5[%mul3A_225] : memref<28672xi32, #tpu.memory_space<vmem>> -> memref<50xi32, #tpu.memory_space<vmem>>
      %dma_wait3A_434 = arith.constant 0 : i32
      %dma_wait3A_435 = arith.constant 0 : i32
      %dma_wait3A_436 = tpu.memref_slice %arg2[%dma_wait3A_434, %dma_wait3A_435] : memref<1000000x128xf32, #tpu.memory_space<hbm>> -> memref<1000000x128xf32, #tpu.memory_space<hbm>>
      %dma_wait3A_437 = tpu.memref_slice %arg7[%dma_wait3A_428] : memref<8x!tpu.dma_semaphore, #tpu.memory_space<semaphore_mem>> -> memref<1x!tpu.dma_semaphore, #tpu.memory_space<semaphore_mem>>
      %dma_wait3A_438 = tpu.memref_squeeze %dma_wait3A_437 : memref<1x!tpu.dma_semaphore, #tpu.memory_space<semaphore_mem>> -> memref<!tpu.dma_semaphore, #tpu.memory_space<semaphore_mem>>
      tpu.wait_indirect_dma semaphore(%dma_wait3A_438 : memref<!tpu.dma_semaphore, #tpu.memory_space<semaphore_mem>>) src(%dma_wait3A_436 : memref<1000000x128xf32, #tpu.memory_space<hbm>>) dst(%dma_wait3A_432 : memref<50x128xf32, #tpu.memory_space<vmem>>)
      %add3A_439 = arith.addi %mul3A_4, %add3A_172 : i32
      %add3A_440 = arith.constant 2 : i32
      %add3A_441 = arith.addi %add3A_439, %add3A_440 : i32
      %add3A_442 = arith.constant 0 : i32
      %add3A_443 = arith.addi %add3A_441, %add3A_442 : i32
      %dma_start3A_444 = arith.constant 2 : i32
      %dma_start3A_445 = arith.constant 2 : i32
      %dma_start3A_446 = arith.constant 0 : i32
      %dma_start3A_447 = arith.constant 0 : i32
      %dma_start3A_448 = tpu.memref_slice %arg6[%dma_start3A_444, %dma_start3A_446, %dma_start3A_447] : memref<8x56x128xf32, #tpu.memory_space<vmem>> -> memref<1x56x128xf32, #tpu.memory_space<vmem>>
      %dma_start3A_449 = tpu.memref_squeeze %dma_start3A_448 : memref<1x56x128xf32, #tpu.memory_space<vmem>> -> memref<56x128xf32, #tpu.memory_space<vmem>>
      %dma_start3A_450 = arith.constant 0 : i32
      %dma_start3A_451 = arith.constant 0 : i32
      %dma_start3A_452 = tpu.memref_slice %arg4[%add3A_443, %dma_start3A_450, %dma_start3A_451] : memref<16384x56x128xf32, #tpu.memory_space<hbm>> -> memref<1x56x128xf32, #tpu.memory_space<hbm>>
      %dma_start3A_453 = tpu.memref_squeeze %dma_start3A_452 : memref<1x56x128xf32, #tpu.memory_space<hbm>> -> memref<56x128xf32, #tpu.memory_space<hbm>>
      %dma_start3A_454 = tpu.memref_slice %arg8[%dma_start3A_445] : memref<8x!tpu.dma_semaphore, #tpu.memory_space<semaphore_mem>> -> memref<1x!tpu.dma_semaphore, #tpu.memory_space<semaphore_mem>>
      %dma_start3A_455 = tpu.memref_squeeze %dma_start3A_454 : memref<1x!tpu.dma_semaphore, #tpu.memory_space<semaphore_mem>> -> memref<!tpu.dma_semaphore, #tpu.memory_space<semaphore_mem>>
      %dma_start3A_456 = arith.constant 0 : i32
      %dma_start3A_457 = arith.constant 0 : i32
      %dma_start3A_458 = tpu.memref_slice %arg4[%add3A_443, %dma_start3A_456, %dma_start3A_457] : memref<16384x56x128xf32, #tpu.memory_space<hbm>> -> memref<1x56x128xf32, #tpu.memory_space<hbm>>
      %dma_start3A_459 = tpu.memref_squeeze %dma_start3A_458 : memref<1x56x128xf32, #tpu.memory_space<hbm>> -> memref<56x128xf32, #tpu.memory_space<hbm>>
      %dma_start3A_460 = arith.constant 0 : i32
      %dma_start3A_461 = arith.constant 0 : i32
      %dma_start3A_462 = tpu.memref_slice %arg6[%dma_start3A_444, %dma_start3A_460, %dma_start3A_461] : memref<8x56x128xf32, #tpu.memory_space<vmem>> -> memref<1x56x128xf32, #tpu.memory_space<vmem>>
      %dma_start3A_463 = tpu.memref_squeeze %dma_start3A_462 : memref<1x56x128xf32, #tpu.memory_space<vmem>> -> memref<56x128xf32, #tpu.memory_space<vmem>>
      tpu.enqueue_dma source(%dma_start3A_463 : memref<56x128xf32, #tpu.memory_space<vmem>>) target(%dma_start3A_459 : memref<56x128xf32, #tpu.memory_space<hbm>>) target_semaphore(%dma_start3A_455 : memref<!tpu.dma_semaphore, #tpu.memory_space<semaphore_mem>>)
      %dma_wait3A_464 = arith.constant 3 : i32
      %dma_wait3A_465 = arith.constant 3 : i32
      %dma_wait3A_466 = arith.constant 0 : i32
      %dma_wait3A_467 = arith.constant 0 : i32
      %dma_wait3A_468 = tpu.memref_slice %arg6[%dma_wait3A_464, %dma_wait3A_466, %dma_wait3A_467] : memref<8x56x128xf32, #tpu.memory_space<vmem>> -> memref<1x50x128xf32, #tpu.memory_space<vmem>>
      %dma_wait3A_469 = tpu.memref_squeeze %dma_wait3A_468 : memref<1x50x128xf32, #tpu.memory_space<vmem>> -> memref<50x128xf32, #tpu.memory_space<vmem>>
      %dma_wait3A_470 = tpu.memref_slice %arg5[%mul3A_248] : memref<28672xi32, #tpu.memory_space<vmem>> -> memref<50xi32, #tpu.memory_space<vmem>>
      %dma_wait3A_471 = arith.constant 0 : i32
      %dma_wait3A_472 = arith.constant 0 : i32
      %dma_wait3A_473 = tpu.memref_slice %arg2[%dma_wait3A_471, %dma_wait3A_472] : memref<1000000x128xf32, #tpu.memory_space<hbm>> -> memref<1000000x128xf32, #tpu.memory_space<hbm>>
      %dma_wait3A_474 = tpu.memref_slice %arg7[%dma_wait3A_465] : memref<8x!tpu.dma_semaphore, #tpu.memory_space<semaphore_mem>> -> memref<1x!tpu.dma_semaphore, #tpu.memory_space<semaphore_mem>>
      %dma_wait3A_475 = tpu.memref_squeeze %dma_wait3A_474 : memref<1x!tpu.dma_semaphore, #tpu.memory_space<semaphore_mem>> -> memref<!tpu.dma_semaphore, #tpu.memory_space<semaphore_mem>>
      tpu.wait_indirect_dma semaphore(%dma_wait3A_475 : memref<!tpu.dma_semaphore, #tpu.memory_space<semaphore_mem>>) src(%dma_wait3A_473 : memref<1000000x128xf32, #tpu.memory_space<hbm>>) dst(%dma_wait3A_469 : memref<50x128xf32, #tpu.memory_space<vmem>>)
      %add3A_476 = arith.addi %mul3A_4, %add3A_172 : i32
      %add3A_477 = arith.constant 3 : i32
      %add3A_478 = arith.addi %add3A_476, %add3A_477 : i32
      %add3A_479 = arith.constant 0 : i32
      %add3A_480 = arith.addi %add3A_478, %add3A_479 : i32
      %dma_start3A_481 = arith.constant 3 : i32
      %dma_start3A_482 = arith.constant 3 : i32
      %dma_start3A_483 = arith.constant 0 : i32
      %dma_start3A_484 = arith.constant 0 : i32
      %dma_start3A_485 = tpu.memref_slice %arg6[%dma_start3A_481, %dma_start3A_483, %dma_start3A_484] : memref<8x56x128xf32, #tpu.memory_space<vmem>> -> memref<1x56x128xf32, #tpu.memory_space<vmem>>
      %dma_start3A_486 = tpu.memref_squeeze %dma_start3A_485 : memref<1x56x128xf32, #tpu.memory_space<vmem>> -> memref<56x128xf32, #tpu.memory_space<vmem>>
      %dma_start3A_487 = arith.constant 0 : i32
      %dma_start3A_488 = arith.constant 0 : i32
      %dma_start3A_489 = tpu.memref_slice %arg4[%add3A_480, %dma_start3A_487, %dma_start3A_488] : memref<16384x56x128xf32, #tpu.memory_space<hbm>> -> memref<1x56x128xf32, #tpu.memory_space<hbm>>
      %dma_start3A_490 = tpu.memref_squeeze %dma_start3A_489 : memref<1x56x128xf32, #tpu.memory_space<hbm>> -> memref<56x128xf32, #tpu.memory_space<hbm>>
      %dma_start3A_491 = tpu.memref_slice %arg8[%dma_start3A_482] : memref<8x!tpu.dma_semaphore, #tpu.memory_space<semaphore_mem>> -> memref<1x!tpu.dma_semaphore, #tpu.memory_space<semaphore_mem>>
      %dma_start3A_492 = tpu.memref_squeeze %dma_start3A_491 : memref<1x!tpu.dma_semaphore, #tpu.memory_space<semaphore_mem>> -> memref<!tpu.dma_semaphore, #tpu.memory_space<semaphore_mem>>
      %dma_start3A_493 = arith.constant 0 : i32
      %dma_start3A_494 = arith.constant 0 : i32
      %dma_start3A_495 = tpu.memref_slice %arg4[%add3A_480, %dma_start3A_493, %dma_start3A_494] : memref<16384x56x128xf32, #tpu.memory_space<hbm>> -> memref<1x56x128xf32, #tpu.memory_space<hbm>>
      %dma_start3A_496 = tpu.memref_squeeze %dma_start3A_495 : memref<1x56x128xf32, #tpu.memory_space<hbm>> -> memref<56x128xf32, #tpu.memory_space<hbm>>
      %dma_start3A_497 = arith.constant 0 : i32
      %dma_start3A_498 = arith.constant 0 : i32
      %dma_start3A_499 = tpu.memref_slice %arg6[%dma_start3A_481, %dma_start3A_497, %dma_start3A_498] : memref<8x56x128xf32, #tpu.memory_space<vmem>> -> memref<1x56x128xf32, #tpu.memory_space<vmem>>
      %dma_start3A_500 = tpu.memref_squeeze %dma_start3A_499 : memref<1x56x128xf32, #tpu.memory_space<vmem>> -> memref<56x128xf32, #tpu.memory_space<vmem>>
      tpu.enqueue_dma source(%dma_start3A_500 : memref<56x128xf32, #tpu.memory_space<vmem>>) target(%dma_start3A_496 : memref<56x128xf32, #tpu.memory_space<hbm>>) target_semaphore(%dma_start3A_492 : memref<!tpu.dma_semaphore, #tpu.memory_space<semaphore_mem>>)
      %dma_wait3A_501 = arith.constant 4 : i32
      %dma_wait3A_502 = arith.constant 4 : i32
      %dma_wait3A_503 = arith.constant 0 : i32
      %dma_wait3A_504 = arith.constant 0 : i32
      %dma_wait3A_505 = tpu.memref_slice %arg6[%dma_wait3A_501, %dma_wait3A_503, %dma_wait3A_504] : memref<8x56x128xf32, #tpu.memory_space<vmem>> -> memref<1x50x128xf32, #tpu.memory_space<vmem>>
      %dma_wait3A_506 = tpu.memref_squeeze %dma_wait3A_505 : memref<1x50x128xf32, #tpu.memory_space<vmem>> -> memref<50x128xf32, #tpu.memory_space<vmem>>
      %dma_wait3A_507 = tpu.memref_slice %arg5[%mul3A_271] : memref<28672xi32, #tpu.memory_space<vmem>> -> memref<50xi32, #tpu.memory_space<vmem>>
      %dma_wait3A_508 = arith.constant 0 : i32
      %dma_wait3A_509 = arith.constant 0 : i32
      %dma_wait3A_510 = tpu.memref_slice %arg2[%dma_wait3A_508, %dma_wait3A_509] : memref<1000000x128xf32, #tpu.memory_space<hbm>> -> memref<1000000x128xf32, #tpu.memory_space<hbm>>
      %dma_wait3A_511 = tpu.memref_slice %arg7[%dma_wait3A_502] : memref<8x!tpu.dma_semaphore, #tpu.memory_space<semaphore_mem>> -> memref<1x!tpu.dma_semaphore, #tpu.memory_space<semaphore_mem>>
      %dma_wait3A_512 = tpu.memref_squeeze %dma_wait3A_511 : memref<1x!tpu.dma_semaphore, #tpu.memory_space<semaphore_mem>> -> memref<!tpu.dma_semaphore, #tpu.memory_space<semaphore_mem>>
      tpu.wait_indirect_dma semaphore(%dma_wait3A_512 : memref<!tpu.dma_semaphore, #tpu.memory_space<semaphore_mem>>) src(%dma_wait3A_510 : memref<1000000x128xf32, #tpu.memory_space<hbm>>) dst(%dma_wait3A_506 : memref<50x128xf32, #tpu.memory_space<vmem>>)
      %add3A_513 = arith.addi %mul3A_4, %add3A_172 : i32
      %add3A_514 = arith.constant 4 : i32
      %add3A_515 = arith.addi %add3A_513, %add3A_514 : i32
      %add3A_516 = arith.constant 0 : i32
      %add3A_517 = arith.addi %add3A_515, %add3A_516 : i32
      %dma_start3A_518 = arith.constant 4 : i32
      %dma_start3A_519 = arith.constant 4 : i32
      %dma_start3A_520 = arith.constant 0 : i32
      %dma_start3A_521 = arith.constant 0 : i32
      %dma_start3A_522 = tpu.memref_slice %arg6[%dma_start3A_518, %dma_start3A_520, %dma_start3A_521] : memref<8x56x128xf32, #tpu.memory_space<vmem>> -> memref<1x56x128xf32, #tpu.memory_space<vmem>>
      %dma_start3A_523 = tpu.memref_squeeze %dma_start3A_522 : memref<1x56x128xf32, #tpu.memory_space<vmem>> -> memref<56x128xf32, #tpu.memory_space<vmem>>
      %dma_start3A_524 = arith.constant 0 : i32
      %dma_start3A_525 = arith.constant 0 : i32
      %dma_start3A_526 = tpu.memref_slice %arg4[%add3A_517, %dma_start3A_524, %dma_start3A_525] : memref<16384x56x128xf32, #tpu.memory_space<hbm>> -> memref<1x56x128xf32, #tpu.memory_space<hbm>>
      %dma_start3A_527 = tpu.memref_squeeze %dma_start3A_526 : memref<1x56x128xf32, #tpu.memory_space<hbm>> -> memref<56x128xf32, #tpu.memory_space<hbm>>
      %dma_start3A_528 = tpu.memref_slice %arg8[%dma_start3A_519] : memref<8x!tpu.dma_semaphore, #tpu.memory_space<semaphore_mem>> -> memref<1x!tpu.dma_semaphore, #tpu.memory_space<semaphore_mem>>
      %dma_start3A_529 = tpu.memref_squeeze %dma_start3A_528 : memref<1x!tpu.dma_semaphore, #tpu.memory_space<semaphore_mem>> -> memref<!tpu.dma_semaphore, #tpu.memory_space<semaphore_mem>>
      %dma_start3A_530 = arith.constant 0 : i32
      %dma_start3A_531 = arith.constant 0 : i32
      %dma_start3A_532 = tpu.memref_slice %arg4[%add3A_517, %dma_start3A_530, %dma_start3A_531] : memref<16384x56x128xf32, #tpu.memory_space<hbm>> -> memref<1x56x128xf32, #tpu.memory_space<hbm>>
      %dma_start3A_533 = tpu.memref_squeeze %dma_start3A_532 : memref<1x56x128xf32, #tpu.memory_space<hbm>> -> memref<56x128xf32, #tpu.memory_space<hbm>>
      %dma_start3A_534 = arith.constant 0 : i32
      %dma_start3A_535 = arith.constant 0 : i32
      %dma_start3A_536 = tpu.memref_slice %arg6[%dma_start3A_518, %dma_start3A_534, %dma_start3A_535] : memref<8x56x128xf32, #tpu.memory_space<vmem>> -> memref<1x56x128xf32, #tpu.memory_space<vmem>>
      %dma_start3A_537 = tpu.memref_squeeze %dma_start3A_536 : memref<1x56x128xf32, #tpu.memory_space<vmem>> -> memref<56x128xf32, #tpu.memory_space<vmem>>
      tpu.enqueue_dma source(%dma_start3A_537 : memref<56x128xf32, #tpu.memory_space<vmem>>) target(%dma_start3A_533 : memref<56x128xf32, #tpu.memory_space<hbm>>) target_semaphore(%dma_start3A_529 : memref<!tpu.dma_semaphore, #tpu.memory_space<semaphore_mem>>)
      %dma_wait3A_538 = arith.constant 5 : i32
      %dma_wait3A_539 = arith.constant 5 : i32
      %dma_wait3A_540 = arith.constant 0 : i32
      %dma_wait3A_541 = arith.constant 0 : i32
      %dma_wait3A_542 = tpu.memref_slice %arg6[%dma_wait3A_538, %dma_wait3A_540, %dma_wait3A_541] : memref<8x56x128xf32, #tpu.memory_space<vmem>> -> memref<1x50x128xf32, #tpu.memory_space<vmem>>
      %dma_wait3A_543 = tpu.memref_squeeze %dma_wait3A_542 : memref<1x50x128xf32, #tpu.memory_space<vmem>> -> memref<50x128xf32, #tpu.memory_space<vmem>>
      %dma_wait3A_544 = tpu.memref_slice %arg5[%mul3A_294] : memref<28672xi32, #tpu.memory_space<vmem>> -> memref<50xi32, #tpu.memory_space<vmem>>
      %dma_wait3A_545 = arith.constant 0 : i32
      %dma_wait3A_546 = arith.constant 0 : i32
      %dma_wait3A_547 = tpu.memref_slice %arg2[%dma_wait3A_545, %dma_wait3A_546] : memref<1000000x128xf32, #tpu.memory_space<hbm>> -> memref<1000000x128xf32, #tpu.memory_space<hbm>>
      %dma_wait3A_548 = tpu.memref_slice %arg7[%dma_wait3A_539] : memref<8x!tpu.dma_semaphore, #tpu.memory_space<semaphore_mem>> -> memref<1x!tpu.dma_semaphore, #tpu.memory_space<semaphore_mem>>
      %dma_wait3A_549 = tpu.memref_squeeze %dma_wait3A_548 : memref<1x!tpu.dma_semaphore, #tpu.memory_space<semaphore_mem>> -> memref<!tpu.dma_semaphore, #tpu.memory_space<semaphore_mem>>
      tpu.wait_indirect_dma semaphore(%dma_wait3A_549 : memref<!tpu.dma_semaphore, #tpu.memory_space<semaphore_mem>>) src(%dma_wait3A_547 : memref<1000000x128xf32, #tpu.memory_space<hbm>>) dst(%dma_wait3A_543 : memref<50x128xf32, #tpu.memory_space<vmem>>)
      %add3A_550 = arith.addi %mul3A_4, %add3A_172 : i32
      %add3A_551 = arith.constant 5 : i32
      %add3A_552 = arith.addi %add3A_550, %add3A_551 : i32
      %add3A_553 = arith.constant 0 : i32
      %add3A_554 = arith.addi %add3A_552, %add3A_553 : i32
      %dma_start3A_555 = arith.constant 5 : i32
      %dma_start3A_556 = arith.constant 5 : i32
      %dma_start3A_557 = arith.constant 0 : i32
      %dma_start3A_558 = arith.constant 0 : i32
      %dma_start3A_559 = tpu.memref_slice %arg6[%dma_start3A_555, %dma_start3A_557, %dma_start3A_558] : memref<8x56x128xf32, #tpu.memory_space<vmem>> -> memref<1x56x128xf32, #tpu.memory_space<vmem>>
      %dma_start3A_560 = tpu.memref_squeeze %dma_start3A_559 : memref<1x56x128xf32, #tpu.memory_space<vmem>> -> memref<56x128xf32, #tpu.memory_space<vmem>>
      %dma_start3A_561 = arith.constant 0 : i32
      %dma_start3A_562 = arith.constant 0 : i32
      %dma_start3A_563 = tpu.memref_slice %arg4[%add3A_554, %dma_start3A_561, %dma_start3A_562] : memref<16384x56x128xf32, #tpu.memory_space<hbm>> -> memref<1x56x128xf32, #tpu.memory_space<hbm>>
      %dma_start3A_564 = tpu.memref_squeeze %dma_start3A_563 : memref<1x56x128xf32, #tpu.memory_space<hbm>> -> memref<56x128xf32, #tpu.memory_space<hbm>>
      %dma_start3A_565 = tpu.memref_slice %arg8[%dma_start3A_556] : memref<8x!tpu.dma_semaphore, #tpu.memory_space<semaphore_mem>> -> memref<1x!tpu.dma_semaphore, #tpu.memory_space<semaphore_mem>>
      %dma_start3A_566 = tpu.memref_squeeze %dma_start3A_565 : memref<1x!tpu.dma_semaphore, #tpu.memory_space<semaphore_mem>> -> memref<!tpu.dma_semaphore, #tpu.memory_space<semaphore_mem>>
      %dma_start3A_567 = arith.constant 0 : i32
      %dma_start3A_568 = arith.constant 0 : i32
      %dma_start3A_569 = tpu.memref_slice %arg4[%add3A_554, %dma_start3A_567, %dma_start3A_568] : memref<16384x56x128xf32, #tpu.memory_space<hbm>> -> memref<1x56x128xf32, #tpu.memory_space<hbm>>
      %dma_start3A_570 = tpu.memref_squeeze %dma_start3A_569 : memref<1x56x128xf32, #tpu.memory_space<hbm>> -> memref<56x128xf32, #tpu.memory_space<hbm>>
      %dma_start3A_571 = arith.constant 0 : i32
      %dma_start3A_572 = arith.constant 0 : i32
      %dma_start3A_573 = tpu.memref_slice %arg6[%dma_start3A_555, %dma_start3A_571, %dma_start3A_572] : memref<8x56x128xf32, #tpu.memory_space<vmem>> -> memref<1x56x128xf32, #tpu.memory_space<vmem>>
      %dma_start3A_574 = tpu.memref_squeeze %dma_start3A_573 : memref<1x56x128xf32, #tpu.memory_space<vmem>> -> memref<56x128xf32, #tpu.memory_space<vmem>>
      tpu.enqueue_dma source(%dma_start3A_574 : memref<56x128xf32, #tpu.memory_space<vmem>>) target(%dma_start3A_570 : memref<56x128xf32, #tpu.memory_space<hbm>>) target_semaphore(%dma_start3A_566 : memref<!tpu.dma_semaphore, #tpu.memory_space<semaphore_mem>>)
      %dma_wait3A_575 = arith.constant 6 : i32
      %dma_wait3A_576 = arith.constant 6 : i32
      %dma_wait3A_577 = arith.constant 0 : i32
      %dma_wait3A_578 = arith.constant 0 : i32
      %dma_wait3A_579 = tpu.memref_slice %arg6[%dma_wait3A_575, %dma_wait3A_577, %dma_wait3A_578] : memref<8x56x128xf32, #tpu.memory_space<vmem>> -> memref<1x50x128xf32, #tpu.memory_space<vmem>>
      %dma_wait3A_580 = tpu.memref_squeeze %dma_wait3A_579 : memref<1x50x128xf32, #tpu.memory_space<vmem>> -> memref<50x128xf32, #tpu.memory_space<vmem>>
      %dma_wait3A_581 = tpu.memref_slice %arg5[%mul3A_317] : memref<28672xi32, #tpu.memory_space<vmem>> -> memref<50xi32, #tpu.memory_space<vmem>>
      %dma_wait3A_582 = arith.constant 0 : i32
      %dma_wait3A_583 = arith.constant 0 : i32
      %dma_wait3A_584 = tpu.memref_slice %arg2[%dma_wait3A_582, %dma_wait3A_583] : memref<1000000x128xf32, #tpu.memory_space<hbm>> -> memref<1000000x128xf32, #tpu.memory_space<hbm>>
      %dma_wait3A_585 = tpu.memref_slice %arg7[%dma_wait3A_576] : memref<8x!tpu.dma_semaphore, #tpu.memory_space<semaphore_mem>> -> memref<1x!tpu.dma_semaphore, #tpu.memory_space<semaphore_mem>>
      %dma_wait3A_586 = tpu.memref_squeeze %dma_wait3A_585 : memref<1x!tpu.dma_semaphore, #tpu.memory_space<semaphore_mem>> -> memref<!tpu.dma_semaphore, #tpu.memory_space<semaphore_mem>>
      tpu.wait_indirect_dma semaphore(%dma_wait3A_586 : memref<!tpu.dma_semaphore, #tpu.memory_space<semaphore_mem>>) src(%dma_wait3A_584 : memref<1000000x128xf32, #tpu.memory_space<hbm>>) dst(%dma_wait3A_580 : memref<50x128xf32, #tpu.memory_space<vmem>>)
      %add3A_587 = arith.addi %mul3A_4, %add3A_172 : i32
      %add3A_588 = arith.constant 6 : i32
      %add3A_589 = arith.addi %add3A_587, %add3A_588 : i32
      %add3A_590 = arith.constant 0 : i32
      %add3A_591 = arith.addi %add3A_589, %add3A_590 : i32
      %dma_start3A_592 = arith.constant 6 : i32
      %dma_start3A_593 = arith.constant 6 : i32
      %dma_start3A_594 = arith.constant 0 : i32
      %dma_start3A_595 = arith.constant 0 : i32
      %dma_start3A_596 = tpu.memref_slice %arg6[%dma_start3A_592, %dma_start3A_594, %dma_start3A_595] : memref<8x56x128xf32, #tpu.memory_space<vmem>> -> memref<1x56x128xf32, #tpu.memory_space<vmem>>
      %dma_start3A_597 = tpu.memref_squeeze %dma_start3A_596 : memref<1x56x128xf32, #tpu.memory_space<vmem>> -> memref<56x128xf32, #tpu.memory_space<vmem>>
      %dma_start3A_598 = arith.constant 0 : i32
      %dma_start3A_599 = arith.constant 0 : i32
      %dma_start3A_600 = tpu.memref_slice %arg4[%add3A_591, %dma_start3A_598, %dma_start3A_599] : memref<16384x56x128xf32, #tpu.memory_space<hbm>> -> memref<1x56x128xf32, #tpu.memory_space<hbm>>
      %dma_start3A_601 = tpu.memref_squeeze %dma_start3A_600 : memref<1x56x128xf32, #tpu.memory_space<hbm>> -> memref<56x128xf32, #tpu.memory_space<hbm>>
      %dma_start3A_602 = tpu.memref_slice %arg8[%dma_start3A_593] : memref<8x!tpu.dma_semaphore, #tpu.memory_space<semaphore_mem>> -> memref<1x!tpu.dma_semaphore, #tpu.memory_space<semaphore_mem>>
      %dma_start3A_603 = tpu.memref_squeeze %dma_start3A_602 : memref<1x!tpu.dma_semaphore, #tpu.memory_space<semaphore_mem>> -> memref<!tpu.dma_semaphore, #tpu.memory_space<semaphore_mem>>
      %dma_start3A_604 = arith.constant 0 : i32
      %dma_start3A_605 = arith.constant 0 : i32
      %dma_start3A_606 = tpu.memref_slice %arg4[%add3A_591, %dma_start3A_604, %dma_start3A_605] : memref<16384x56x128xf32, #tpu.memory_space<hbm>> -> memref<1x56x128xf32, #tpu.memory_space<hbm>>
      %dma_start3A_607 = tpu.memref_squeeze %dma_start3A_606 : memref<1x56x128xf32, #tpu.memory_space<hbm>> -> memref<56x128xf32, #tpu.memory_space<hbm>>
      %dma_start3A_608 = arith.constant 0 : i32
      %dma_start3A_609 = arith.constant 0 : i32
      %dma_start3A_610 = tpu.memref_slice %arg6[%dma_start3A_592, %dma_start3A_608, %dma_start3A_609] : memref<8x56x128xf32, #tpu.memory_space<vmem>> -> memref<1x56x128xf32, #tpu.memory_space<vmem>>
      %dma_start3A_611 = tpu.memref_squeeze %dma_start3A_610 : memref<1x56x128xf32, #tpu.memory_space<vmem>> -> memref<56x128xf32, #tpu.memory_space<vmem>>
      tpu.enqueue_dma source(%dma_start3A_611 : memref<56x128xf32, #tpu.memory_space<vmem>>) target(%dma_start3A_607 : memref<56x128xf32, #tpu.memory_space<hbm>>) target_semaphore(%dma_start3A_603 : memref<!tpu.dma_semaphore, #tpu.memory_space<semaphore_mem>>)
      %dma_wait3A_612 = arith.constant 7 : i32
      %dma_wait3A_613 = arith.constant 7 : i32
      %dma_wait3A_614 = arith.constant 0 : i32
      %dma_wait3A_615 = arith.constant 0 : i32
      %dma_wait3A_616 = tpu.memref_slice %arg6[%dma_wait3A_612, %dma_wait3A_614, %dma_wait3A_615] : memref<8x56x128xf32, #tpu.memory_space<vmem>> -> memref<1x50x128xf32, #tpu.memory_space<vmem>>
      %dma_wait3A_617 = tpu.memref_squeeze %dma_wait3A_616 : memref<1x50x128xf32, #tpu.memory_space<vmem>> -> memref<50x128xf32, #tpu.memory_space<vmem>>
      %dma_wait3A_618 = tpu.memref_slice %arg5[%mul3A_340] : memref<28672xi32, #tpu.memory_space<vmem>> -> memref<50xi32, #tpu.memory_space<vmem>>
      %dma_wait3A_619 = arith.constant 0 : i32
      %dma_wait3A_620 = arith.constant 0 : i32
      %dma_wait3A_621 = tpu.memref_slice %arg2[%dma_wait3A_619, %dma_wait3A_620] : memref<1000000x128xf32, #tpu.memory_space<hbm>> -> memref<1000000x128xf32, #tpu.memory_space<hbm>>
      %dma_wait3A_622 = tpu.memref_slice %arg7[%dma_wait3A_613] : memref<8x!tpu.dma_semaphore, #tpu.memory_space<semaphore_mem>> -> memref<1x!tpu.dma_semaphore, #tpu.memory_space<semaphore_mem>>
      %dma_wait3A_623 = tpu.memref_squeeze %dma_wait3A_622 : memref<1x!tpu.dma_semaphore, #tpu.memory_space<semaphore_mem>> -> memref<!tpu.dma_semaphore, #tpu.memory_space<semaphore_mem>>
      tpu.wait_indirect_dma semaphore(%dma_wait3A_623 : memref<!tpu.dma_semaphore, #tpu.memory_space<semaphore_mem>>) src(%dma_wait3A_621 : memref<1000000x128xf32, #tpu.memory_space<hbm>>) dst(%dma_wait3A_617 : memref<50x128xf32, #tpu.memory_space<vmem>>)
      %add3A_624 = arith.addi %mul3A_4, %add3A_172 : i32
      %add3A_625 = arith.constant 7 : i32
      %add3A_626 = arith.addi %add3A_624, %add3A_625 : i32
      %add3A_627 = arith.constant 0 : i32
      %add3A_628 = arith.addi %add3A_626, %add3A_627 : i32
      %dma_start3A_629 = arith.constant 7 : i32
      %dma_start3A_630 = arith.constant 7 : i32
      %dma_start3A_631 = arith.constant 0 : i32
      %dma_start3A_632 = arith.constant 0 : i32
      %dma_start3A_633 = tpu.memref_slice %arg6[%dma_start3A_629, %dma_start3A_631, %dma_start3A_632] : memref<8x56x128xf32, #tpu.memory_space<vmem>> -> memref<1x56x128xf32, #tpu.memory_space<vmem>>
      %dma_start3A_634 = tpu.memref_squeeze %dma_start3A_633 : memref<1x56x128xf32, #tpu.memory_space<vmem>> -> memref<56x128xf32, #tpu.memory_space<vmem>>
      %dma_start3A_635 = arith.constant 0 : i32
      %dma_start3A_636 = arith.constant 0 : i32
      %dma_start3A_637 = tpu.memref_slice %arg4[%add3A_628, %dma_start3A_635, %dma_start3A_636] : memref<16384x56x128xf32, #tpu.memory_space<hbm>> -> memref<1x56x128xf32, #tpu.memory_space<hbm>>
      %dma_start3A_638 = tpu.memref_squeeze %dma_start3A_637 : memref<1x56x128xf32, #tpu.memory_space<hbm>> -> memref<56x128xf32, #tpu.memory_space<hbm>>
      %dma_start3A_639 = tpu.memref_slice %arg8[%dma_start3A_630] : memref<8x!tpu.dma_semaphore, #tpu.memory_space<semaphore_mem>> -> memref<1x!tpu.dma_semaphore, #tpu.memory_space<semaphore_mem>>
      %dma_start3A_640 = tpu.memref_squeeze %dma_start3A_639 : memref<1x!tpu.dma_semaphore, #tpu.memory_space<semaphore_mem>> -> memref<!tpu.dma_semaphore, #tpu.memory_space<semaphore_mem>>
      %dma_start3A_641 = arith.constant 0 : i32
      %dma_start3A_642 = arith.constant 0 : i32
      %dma_start3A_643 = tpu.memref_slice %arg4[%add3A_628, %dma_start3A_641, %dma_start3A_642] : memref<16384x56x128xf32, #tpu.memory_space<hbm>> -> memref<1x56x128xf32, #tpu.memory_space<hbm>>
      %dma_start3A_644 = tpu.memref_squeeze %dma_start3A_643 : memref<1x56x128xf32, #tpu.memory_space<hbm>> -> memref<56x128xf32, #tpu.memory_space<hbm>>
      %dma_start3A_645 = arith.constant 0 : i32
      %dma_start3A_646 = arith.constant 0 : i32
      %dma_start3A_647 = tpu.memref_slice %arg6[%dma_start3A_629, %dma_start3A_645, %dma_start3A_646] : memref<8x56x128xf32, #tpu.memory_space<vmem>> -> memref<1x56x128xf32, #tpu.memory_space<vmem>>
      %dma_start3A_648 = tpu.memref_squeeze %dma_start3A_647 : memref<1x56x128xf32, #tpu.memory_space<vmem>> -> memref<56x128xf32, #tpu.memory_space<vmem>>
      tpu.enqueue_dma source(%dma_start3A_648 : memref<56x128xf32, #tpu.memory_space<vmem>>) target(%dma_start3A_644 : memref<56x128xf32, #tpu.memory_space<hbm>>) target_semaphore(%dma_start3A_640 : memref<!tpu.dma_semaphore, #tpu.memory_space<semaphore_mem>>)
    }
    %scan3A_8 = arith.constant 64 : i32
    %dma_wait3A = arith.constant 0 : i32
    %dma_wait3A_9 = arith.constant 0 : i32
    %dma_wait3A_10 = arith.constant 0 : i32
    %dma_wait3A_11 = arith.constant 0 : i32
    %dma_wait3A_12 = tpu.memref_slice %arg6[%dma_wait3A, %dma_wait3A_10, %dma_wait3A_11] : memref<8x56x128xf32, #tpu.memory_space<vmem>> -> memref<1x56x128xf32, #tpu.memory_space<vmem>>
    %dma_wait3A_13 = tpu.memref_squeeze %dma_wait3A_12 : memref<1x56x128xf32, #tpu.memory_space<vmem>> -> memref<56x128xf32, #tpu.memory_space<vmem>>
    %dma_wait3A_14 = arith.constant 0 : i32
    %dma_wait3A_15 = arith.constant 0 : i32
    %dma_wait3A_16 = tpu.memref_slice %arg4[%mul3A_4, %dma_wait3A_14, %dma_wait3A_15] : memref<16384x56x128xf32, #tpu.memory_space<hbm>> -> memref<1x56x128xf32, #tpu.memory_space<hbm>>
    %dma_wait3A_17 = tpu.memref_squeeze %dma_wait3A_16 : memref<1x56x128xf32, #tpu.memory_space<hbm>> -> memref<56x128xf32, #tpu.memory_space<hbm>>
    %dma_wait3A_18 = tpu.memref_slice %arg8[%dma_wait3A_9] : memref<8x!tpu.dma_semaphore, #tpu.memory_space<semaphore_mem>> -> memref<1x!tpu.dma_semaphore, #tpu.memory_space<semaphore_mem>>
    %dma_wait3A_19 = tpu.memref_squeeze %dma_wait3A_18 : memref<1x!tpu.dma_semaphore, #tpu.memory_space<semaphore_mem>> -> memref<!tpu.dma_semaphore, #tpu.memory_space<semaphore_mem>>
    %dma_wait3A_20 = arith.constant 0 : i32
    %dma_wait3A_21 = arith.constant 0 : i32
    %dma_wait3A_22 = tpu.memref_slice %arg4[%mul3A_4, %dma_wait3A_20, %dma_wait3A_21] : memref<16384x56x128xf32, #tpu.memory_space<hbm>> -> memref<1x56x128xf32, #tpu.memory_space<hbm>>
    %dma_wait3A_23 = tpu.memref_squeeze %dma_wait3A_22 : memref<1x56x128xf32, #tpu.memory_space<hbm>> -> memref<56x128xf32, #tpu.memory_space<hbm>>
    %dma_wait3A_24 = arith.constant 0 : i32
    %dma_wait3A_25 = arith.constant 0 : i32
    %dma_wait3A_26 = tpu.memref_slice %arg6[%dma_wait3A, %dma_wait3A_24, %dma_wait3A_25] : memref<8x56x128xf32, #tpu.memory_space<vmem>> -> memref<1x56x128xf32, #tpu.memory_space<vmem>>
    %dma_wait3A_27 = tpu.memref_squeeze %dma_wait3A_26 : memref<1x56x128xf32, #tpu.memory_space<vmem>> -> memref<56x128xf32, #tpu.memory_space<vmem>>
    tpu.wait_dma2 semaphore(%dma_wait3A_19 : memref<!tpu.dma_semaphore, #tpu.memory_space<semaphore_mem>>) src(%dma_wait3A_27 : memref<56x128xf32, #tpu.memory_space<vmem>>) dst(%dma_wait3A_23 : memref<56x128xf32, #tpu.memory_space<hbm>>)
    %dma_wait3A_28 = arith.constant 1 : i32
    %dma_wait3A_29 = arith.constant 1 : i32
    %dma_wait3A_30 = arith.constant 0 : i32
    %dma_wait3A_31 = arith.constant 0 : i32
    %dma_wait3A_32 = tpu.memref_slice %arg6[%dma_wait3A_28, %dma_wait3A_30, %dma_wait3A_31] : memref<8x56x128xf32, #tpu.memory_space<vmem>> -> memref<1x56x128xf32, #tpu.memory_space<vmem>>
    %dma_wait3A_33 = tpu.memref_squeeze %dma_wait3A_32 : memref<1x56x128xf32, #tpu.memory_space<vmem>> -> memref<56x128xf32, #tpu.memory_space<vmem>>
    %dma_wait3A_34 = arith.constant 0 : i32
    %dma_wait3A_35 = arith.constant 0 : i32
    %dma_wait3A_36 = tpu.memref_slice %arg4[%mul3A_4, %dma_wait3A_34, %dma_wait3A_35] : memref<16384x56x128xf32, #tpu.memory_space<hbm>> -> memref<1x56x128xf32, #tpu.memory_space<hbm>>
    %dma_wait3A_37 = tpu.memref_squeeze %dma_wait3A_36 : memref<1x56x128xf32, #tpu.memory_space<hbm>> -> memref<56x128xf32, #tpu.memory_space<hbm>>
    %dma_wait3A_38 = tpu.memref_slice %arg8[%dma_wait3A_29] : memref<8x!tpu.dma_semaphore, #tpu.memory_space<semaphore_mem>> -> memref<1x!tpu.dma_semaphore, #tpu.memory_space<semaphore_mem>>
    %dma_wait3A_39 = tpu.memref_squeeze %dma_wait3A_38 : memref<1x!tpu.dma_semaphore, #tpu.memory_space<semaphore_mem>> -> memref<!tpu.dma_semaphore, #tpu.memory_space<semaphore_mem>>
    %dma_wait3A_40 = arith.constant 0 : i32
    %dma_wait3A_41 = arith.constant 0 : i32
    %dma_wait3A_42 = tpu.memref_slice %arg4[%mul3A_4, %dma_wait3A_40, %dma_wait3A_41] : memref<16384x56x128xf32, #tpu.memory_space<hbm>> -> memref<1x56x128xf32, #tpu.memory_space<hbm>>
    %dma_wait3A_43 = tpu.memref_squeeze %dma_wait3A_42 : memref<1x56x128xf32, #tpu.memory_space<hbm>> -> memref<56x128xf32, #tpu.memory_space<hbm>>
    %dma_wait3A_44 = arith.constant 0 : i32
    %dma_wait3A_45 = arith.constant 0 : i32
    %dma_wait3A_46 = tpu.memref_slice %arg6[%dma_wait3A_28, %dma_wait3A_44, %dma_wait3A_45] : memref<8x56x128xf32, #tpu.memory_space<vmem>> -> memref<1x56x128xf32, #tpu.memory_space<vmem>>
    %dma_wait3A_47 = tpu.memref_squeeze %dma_wait3A_46 : memref<1x56x128xf32, #tpu.memory_space<vmem>> -> memref<56x128xf32, #tpu.memory_space<vmem>>
    tpu.wait_dma2 semaphore(%dma_wait3A_39 : memref<!tpu.dma_semaphore, #tpu.memory_space<semaphore_mem>>) src(%dma_wait3A_47 : memref<56x128xf32, #tpu.memory_space<vmem>>) dst(%dma_wait3A_43 : memref<56x128xf32, #tpu.memory_space<hbm>>)
    %dma_wait3A_48 = arith.constant 2 : i32
    %dma_wait3A_49 = arith.constant 2 : i32
    %dma_wait3A_50 = arith.constant 0 : i32
    %dma_wait3A_51 = arith.constant 0 : i32
    %dma_wait3A_52 = tpu.memref_slice %arg6[%dma_wait3A_48, %dma_wait3A_50, %dma_wait3A_51] : memref<8x56x128xf32, #tpu.memory_space<vmem>> -> memref<1x56x128xf32, #tpu.memory_space<vmem>>
    %dma_wait3A_53 = tpu.memref_squeeze %dma_wait3A_52 : memref<1x56x128xf32, #tpu.memory_space<vmem>> -> memref<56x128xf32, #tpu.memory_space<vmem>>
    %dma_wait3A_54 = arith.constant 0 : i32
    %dma_wait3A_55 = arith.constant 0 : i32
    %dma_wait3A_56 = tpu.memref_slice %arg4[%mul3A_4, %dma_wait3A_54, %dma_wait3A_55] : memref<16384x56x128xf32, #tpu.memory_space<hbm>> -> memref<1x56x128xf32, #tpu.memory_space<hbm>>
    %dma_wait3A_57 = tpu.memref_squeeze %dma_wait3A_56 : memref<1x56x128xf32, #tpu.memory_space<hbm>> -> memref<56x128xf32, #tpu.memory_space<hbm>>
    %dma_wait3A_58 = tpu.memref_slice %arg8[%dma_wait3A_49] : memref<8x!tpu.dma_semaphore, #tpu.memory_space<semaphore_mem>> -> memref<1x!tpu.dma_semaphore, #tpu.memory_space<semaphore_mem>>
    %dma_wait3A_59 = tpu.memref_squeeze %dma_wait3A_58 : memref<1x!tpu.dma_semaphore, #tpu.memory_space<semaphore_mem>> -> memref<!tpu.dma_semaphore, #tpu.memory_space<semaphore_mem>>
    %dma_wait3A_60 = arith.constant 0 : i32
    %dma_wait3A_61 = arith.constant 0 : i32
    %dma_wait3A_62 = tpu.memref_slice %arg4[%mul3A_4, %dma_wait3A_60, %dma_wait3A_61] : memref<16384x56x128xf32, #tpu.memory_space<hbm>> -> memref<1x56x128xf32, #tpu.memory_space<hbm>>
    %dma_wait3A_63 = tpu.memref_squeeze %dma_wait3A_62 : memref<1x56x128xf32, #tpu.memory_space<hbm>> -> memref<56x128xf32, #tpu.memory_space<hbm>>
    %dma_wait3A_64 = arith.constant 0 : i32
    %dma_wait3A_65 = arith.constant 0 : i32
    %dma_wait3A_66 = tpu.memref_slice %arg6[%dma_wait3A_48, %dma_wait3A_64, %dma_wait3A_65] : memref<8x56x128xf32, #tpu.memory_space<vmem>> -> memref<1x56x128xf32, #tpu.memory_space<vmem>>
    %dma_wait3A_67 = tpu.memref_squeeze %dma_wait3A_66 : memref<1x56x128xf32, #tpu.memory_space<vmem>> -> memref<56x128xf32, #tpu.memory_space<vmem>>
    tpu.wait_dma2 semaphore(%dma_wait3A_59 : memref<!tpu.dma_semaphore, #tpu.memory_space<semaphore_mem>>) src(%dma_wait3A_67 : memref<56x128xf32, #tpu.memory_space<vmem>>) dst(%dma_wait3A_63 : memref<56x128xf32, #tpu.memory_space<hbm>>)
    %dma_wait3A_68 = arith.constant 3 : i32
    %dma_wait3A_69 = arith.constant 3 : i32
    %dma_wait3A_70 = arith.constant 0 : i32
    %dma_wait3A_71 = arith.constant 0 : i32
    %dma_wait3A_72 = tpu.memref_slice %arg6[%dma_wait3A_68, %dma_wait3A_70, %dma_wait3A_71] : memref<8x56x128xf32, #tpu.memory_space<vmem>> -> memref<1x56x128xf32, #tpu.memory_space<vmem>>
    %dma_wait3A_73 = tpu.memref_squeeze %dma_wait3A_72 : memref<1x56x128xf32, #tpu.memory_space<vmem>> -> memref<56x128xf32, #tpu.memory_space<vmem>>
    %dma_wait3A_74 = arith.constant 0 : i32
    %dma_wait3A_75 = arith.constant 0 : i32
    %dma_wait3A_76 = tpu.memref_slice %arg4[%mul3A_4, %dma_wait3A_74, %dma_wait3A_75] : memref<16384x56x128xf32, #tpu.memory_space<hbm>> -> memref<1x56x128xf32, #tpu.memory_space<hbm>>
    %dma_wait3A_77 = tpu.memref_squeeze %dma_wait3A_76 : memref<1x56x128xf32, #tpu.memory_space<hbm>> -> memref<56x128xf32, #tpu.memory_space<hbm>>
    %dma_wait3A_78 = tpu.memref_slice %arg8[%dma_wait3A_69] : memref<8x!tpu.dma_semaphore, #tpu.memory_space<semaphore_mem>> -> memref<1x!tpu.dma_semaphore, #tpu.memory_space<semaphore_mem>>
    %dma_wait3A_79 = tpu.memref_squeeze %dma_wait3A_78 : memref<1x!tpu.dma_semaphore, #tpu.memory_space<semaphore_mem>> -> memref<!tpu.dma_semaphore, #tpu.memory_space<semaphore_mem>>
    %dma_wait3A_80 = arith.constant 0 : i32
    %dma_wait3A_81 = arith.constant 0 : i32
    %dma_wait3A_82 = tpu.memref_slice %arg4[%mul3A_4, %dma_wait3A_80, %dma_wait3A_81] : memref<16384x56x128xf32, #tpu.memory_space<hbm>> -> memref<1x56x128xf32, #tpu.memory_space<hbm>>
    %dma_wait3A_83 = tpu.memref_squeeze %dma_wait3A_82 : memref<1x56x128xf32, #tpu.memory_space<hbm>> -> memref<56x128xf32, #tpu.memory_space<hbm>>
    %dma_wait3A_84 = arith.constant 0 : i32
    %dma_wait3A_85 = arith.constant 0 : i32
    %dma_wait3A_86 = tpu.memref_slice %arg6[%dma_wait3A_68, %dma_wait3A_84, %dma_wait3A_85] : memref<8x56x128xf32, #tpu.memory_space<vmem>> -> memref<1x56x128xf32, #tpu.memory_space<vmem>>
    %dma_wait3A_87 = tpu.memref_squeeze %dma_wait3A_86 : memref<1x56x128xf32, #tpu.memory_space<vmem>> -> memref<56x128xf32, #tpu.memory_space<vmem>>
    tpu.wait_dma2 semaphore(%dma_wait3A_79 : memref<!tpu.dma_semaphore, #tpu.memory_space<semaphore_mem>>) src(%dma_wait3A_87 : memref<56x128xf32, #tpu.memory_space<vmem>>) dst(%dma_wait3A_83 : memref<56x128xf32, #tpu.memory_space<hbm>>)
    %dma_wait3A_88 = arith.constant 4 : i32
    %dma_wait3A_89 = arith.constant 4 : i32
    %dma_wait3A_90 = arith.constant 0 : i32
    %dma_wait3A_91 = arith.constant 0 : i32
    %dma_wait3A_92 = tpu.memref_slice %arg6[%dma_wait3A_88, %dma_wait3A_90, %dma_wait3A_91] : memref<8x56x128xf32, #tpu.memory_space<vmem>> -> memref<1x56x128xf32, #tpu.memory_space<vmem>>
    %dma_wait3A_93 = tpu.memref_squeeze %dma_wait3A_92 : memref<1x56x128xf32, #tpu.memory_space<vmem>> -> memref<56x128xf32, #tpu.memory_space<vmem>>
    %dma_wait3A_94 = arith.constant 0 : i32
    %dma_wait3A_95 = arith.constant 0 : i32
    %dma_wait3A_96 = tpu.memref_slice %arg4[%mul3A_4, %dma_wait3A_94, %dma_wait3A_95] : memref<16384x56x128xf32, #tpu.memory_space<hbm>> -> memref<1x56x128xf32, #tpu.memory_space<hbm>>
    %dma_wait3A_97 = tpu.memref_squeeze %dma_wait3A_96 : memref<1x56x128xf32, #tpu.memory_space<hbm>> -> memref<56x128xf32, #tpu.memory_space<hbm>>
    %dma_wait3A_98 = tpu.memref_slice %arg8[%dma_wait3A_89] : memref<8x!tpu.dma_semaphore, #tpu.memory_space<semaphore_mem>> -> memref<1x!tpu.dma_semaphore, #tpu.memory_space<semaphore_mem>>
    %dma_wait3A_99 = tpu.memref_squeeze %dma_wait3A_98 : memref<1x!tpu.dma_semaphore, #tpu.memory_space<semaphore_mem>> -> memref<!tpu.dma_semaphore, #tpu.memory_space<semaphore_mem>>
    %dma_wait3A_100 = arith.constant 0 : i32
    %dma_wait3A_101 = arith.constant 0 : i32
    %dma_wait3A_102 = tpu.memref_slice %arg4[%mul3A_4, %dma_wait3A_100, %dma_wait3A_101] : memref<16384x56x128xf32, #tpu.memory_space<hbm>> -> memref<1x56x128xf32, #tpu.memory_space<hbm>>
    %dma_wait3A_103 = tpu.memref_squeeze %dma_wait3A_102 : memref<1x56x128xf32, #tpu.memory_space<hbm>> -> memref<56x128xf32, #tpu.memory_space<hbm>>
    %dma_wait3A_104 = arith.constant 0 : i32
    %dma_wait3A_105 = arith.constant 0 : i32
    %dma_wait3A_106 = tpu.memref_slice %arg6[%dma_wait3A_88, %dma_wait3A_104, %dma_wait3A_105] : memref<8x56x128xf32, #tpu.memory_space<vmem>> -> memref<1x56x128xf32, #tpu.memory_space<vmem>>
    %dma_wait3A_107 = tpu.memref_squeeze %dma_wait3A_106 : memref<1x56x128xf32, #tpu.memory_space<vmem>> -> memref<56x128xf32, #tpu.memory_space<vmem>>
    tpu.wait_dma2 semaphore(%dma_wait3A_99 : memref<!tpu.dma_semaphore, #tpu.memory_space<semaphore_mem>>) src(%dma_wait3A_107 : memref<56x128xf32, #tpu.memory_space<vmem>>) dst(%dma_wait3A_103 : memref<56x128xf32, #tpu.memory_space<hbm>>)
    %dma_wait3A_108 = arith.constant 5 : i32
    %dma_wait3A_109 = arith.constant 5 : i32
    %dma_wait3A_110 = arith.constant 0 : i32
    %dma_wait3A_111 = arith.constant 0 : i32
    %dma_wait3A_112 = tpu.memref_slice %arg6[%dma_wait3A_108, %dma_wait3A_110, %dma_wait3A_111] : memref<8x56x128xf32, #tpu.memory_space<vmem>> -> memref<1x56x128xf32, #tpu.memory_space<vmem>>
    %dma_wait3A_113 = tpu.memref_squeeze %dma_wait3A_112 : memref<1x56x128xf32, #tpu.memory_space<vmem>> -> memref<56x128xf32, #tpu.memory_space<vmem>>
    %dma_wait3A_114 = arith.constant 0 : i32
    %dma_wait3A_115 = arith.constant 0 : i32
    %dma_wait3A_116 = tpu.memref_slice %arg4[%mul3A_4, %dma_wait3A_114, %dma_wait3A_115] : memref<16384x56x128xf32, #tpu.memory_space<hbm>> -> memref<1x56x128xf32, #tpu.memory_space<hbm>>
    %dma_wait3A_117 = tpu.memref_squeeze %dma_wait3A_116 : memref<1x56x128xf32, #tpu.memory_space<hbm>> -> memref<56x128xf32, #tpu.memory_space<hbm>>
    %dma_wait3A_118 = tpu.memref_slice %arg8[%dma_wait3A_109] : memref<8x!tpu.dma_semaphore, #tpu.memory_space<semaphore_mem>> -> memref<1x!tpu.dma_semaphore, #tpu.memory_space<semaphore_mem>>
    %dma_wait3A_119 = tpu.memref_squeeze %dma_wait3A_118 : memref<1x!tpu.dma_semaphore, #tpu.memory_space<semaphore_mem>> -> memref<!tpu.dma_semaphore, #tpu.memory_space<semaphore_mem>>
    %dma_wait3A_120 = arith.constant 0 : i32
    %dma_wait3A_121 = arith.constant 0 : i32
    %dma_wait3A_122 = tpu.memref_slice %arg4[%mul3A_4, %dma_wait3A_120, %dma_wait3A_121] : memref<16384x56x128xf32, #tpu.memory_space<hbm>> -> memref<1x56x128xf32, #tpu.memory_space<hbm>>
    %dma_wait3A_123 = tpu.memref_squeeze %dma_wait3A_122 : memref<1x56x128xf32, #tpu.memory_space<hbm>> -> memref<56x128xf32, #tpu.memory_space<hbm>>
    %dma_wait3A_124 = arith.constant 0 : i32
    %dma_wait3A_125 = arith.constant 0 : i32
    %dma_wait3A_126 = tpu.memref_slice %arg6[%dma_wait3A_108, %dma_wait3A_124, %dma_wait3A_125] : memref<8x56x128xf32, #tpu.memory_space<vmem>> -> memref<1x56x128xf32, #tpu.memory_space<vmem>>
    %dma_wait3A_127 = tpu.memref_squeeze %dma_wait3A_126 : memref<1x56x128xf32, #tpu.memory_space<vmem>> -> memref<56x128xf32, #tpu.memory_space<vmem>>
    tpu.wait_dma2 semaphore(%dma_wait3A_119 : memref<!tpu.dma_semaphore, #tpu.memory_space<semaphore_mem>>) src(%dma_wait3A_127 : memref<56x128xf32, #tpu.memory_space<vmem>>) dst(%dma_wait3A_123 : memref<56x128xf32, #tpu.memory_space<hbm>>)
    %dma_wait3A_128 = arith.constant 6 : i32
    %dma_wait3A_129 = arith.constant 6 : i32
    %dma_wait3A_130 = arith.constant 0 : i32
    %dma_wait3A_131 = arith.constant 0 : i32
    %dma_wait3A_132 = tpu.memref_slice %arg6[%dma_wait3A_128, %dma_wait3A_130, %dma_wait3A_131] : memref<8x56x128xf32, #tpu.memory_space<vmem>> -> memref<1x56x128xf32, #tpu.memory_space<vmem>>
    %dma_wait3A_133 = tpu.memref_squeeze %dma_wait3A_132 : memref<1x56x128xf32, #tpu.memory_space<vmem>> -> memref<56x128xf32, #tpu.memory_space<vmem>>
    %dma_wait3A_134 = arith.constant 0 : i32
    %dma_wait3A_135 = arith.constant 0 : i32
    %dma_wait3A_136 = tpu.memref_slice %arg4[%mul3A_4, %dma_wait3A_134, %dma_wait3A_135] : memref<16384x56x128xf32, #tpu.memory_space<hbm>> -> memref<1x56x128xf32, #tpu.memory_space<hbm>>
    %dma_wait3A_137 = tpu.memref_squeeze %dma_wait3A_136 : memref<1x56x128xf32, #tpu.memory_space<hbm>> -> memref<56x128xf32, #tpu.memory_space<hbm>>
    %dma_wait3A_138 = tpu.memref_slice %arg8[%dma_wait3A_129] : memref<8x!tpu.dma_semaphore, #tpu.memory_space<semaphore_mem>> -> memref<1x!tpu.dma_semaphore, #tpu.memory_space<semaphore_mem>>
    %dma_wait3A_139 = tpu.memref_squeeze %dma_wait3A_138 : memref<1x!tpu.dma_semaphore, #tpu.memory_space<semaphore_mem>> -> memref<!tpu.dma_semaphore, #tpu.memory_space<semaphore_mem>>
    %dma_wait3A_140 = arith.constant 0 : i32
    %dma_wait3A_141 = arith.constant 0 : i32
    %dma_wait3A_142 = tpu.memref_slice %arg4[%mul3A_4, %dma_wait3A_140, %dma_wait3A_141] : memref<16384x56x128xf32, #tpu.memory_space<hbm>> -> memref<1x56x128xf32, #tpu.memory_space<hbm>>
    %dma_wait3A_143 = tpu.memref_squeeze %dma_wait3A_142 : memref<1x56x128xf32, #tpu.memory_space<hbm>> -> memref<56x128xf32, #tpu.memory_space<hbm>>
    %dma_wait3A_144 = arith.constant 0 : i32
    %dma_wait3A_145 = arith.constant 0 : i32
    %dma_wait3A_146 = tpu.memref_slice %arg6[%dma_wait3A_128, %dma_wait3A_144, %dma_wait3A_145] : memref<8x56x128xf32, #tpu.memory_space<vmem>> -> memref<1x56x128xf32, #tpu.memory_space<vmem>>
    %dma_wait3A_147 = tpu.memref_squeeze %dma_wait3A_146 : memref<1x56x128xf32, #tpu.memory_space<vmem>> -> memref<56x128xf32, #tpu.memory_space<vmem>>
    tpu.wait_dma2 semaphore(%dma_wait3A_139 : memref<!tpu.dma_semaphore, #tpu.memory_space<semaphore_mem>>) src(%dma_wait3A_147 : memref<56x128xf32, #tpu.memory_space<vmem>>) dst(%dma_wait3A_143 : memref<56x128xf32, #tpu.memory_space<hbm>>)
    %dma_wait3A_148 = arith.constant 7 : i32
    %dma_wait3A_149 = arith.constant 7 : i32
    %dma_wait3A_150 = arith.constant 0 : i32
    %dma_wait3A_151 = arith.constant 0 : i32
    %dma_wait3A_152 = tpu.memref_slice %arg6[%dma_wait3A_148, %dma_wait3A_150, %dma_wait3A_151] : memref<8x56x128xf32, #tpu.memory_space<vmem>> -> memref<1x56x128xf32, #tpu.memory_space<vmem>>
    %dma_wait3A_153 = tpu.memref_squeeze %dma_wait3A_152 : memref<1x56x128xf32, #tpu.memory_space<vmem>> -> memref<56x128xf32, #tpu.memory_space<vmem>>
    %dma_wait3A_154 = arith.constant 0 : i32
    %dma_wait3A_155 = arith.constant 0 : i32
    %dma_wait3A_156 = tpu.memref_slice %arg4[%mul3A_4, %dma_wait3A_154, %dma_wait3A_155] : memref<16384x56x128xf32, #tpu.memory_space<hbm>> -> memref<1x56x128xf32, #tpu.memory_space<hbm>>
    %dma_wait3A_157 = tpu.memref_squeeze %dma_wait3A_156 : memref<1x56x128xf32, #tpu.memory_space<hbm>> -> memref<56x128xf32, #tpu.memory_space<hbm>>
    %dma_wait3A_158 = tpu.memref_slice %arg8[%dma_wait3A_149] : memref<8x!tpu.dma_semaphore, #tpu.memory_space<semaphore_mem>> -> memref<1x!tpu.dma_semaphore, #tpu.memory_space<semaphore_mem>>
    %dma_wait3A_159 = tpu.memref_squeeze %dma_wait3A_158 : memref<1x!tpu.dma_semaphore, #tpu.memory_space<semaphore_mem>> -> memref<!tpu.dma_semaphore, #tpu.memory_space<semaphore_mem>>
    %dma_wait3A_160 = arith.constant 0 : i32
    %dma_wait3A_161 = arith.constant 0 : i32
    %dma_wait3A_162 = tpu.memref_slice %arg4[%mul3A_4, %dma_wait3A_160, %dma_wait3A_161] : memref<16384x56x128xf32, #tpu.memory_space<hbm>> -> memref<1x56x128xf32, #tpu.memory_space<hbm>>
    %dma_wait3A_163 = tpu.memref_squeeze %dma_wait3A_162 : memref<1x56x128xf32, #tpu.memory_space<hbm>> -> memref<56x128xf32, #tpu.memory_space<hbm>>
    %dma_wait3A_164 = arith.constant 0 : i32
    %dma_wait3A_165 = arith.constant 0 : i32
    %dma_wait3A_166 = tpu.memref_slice %arg6[%dma_wait3A_148, %dma_wait3A_164, %dma_wait3A_165] : memref<8x56x128xf32, #tpu.memory_space<vmem>> -> memref<1x56x128xf32, #tpu.memory_space<vmem>>
    %dma_wait3A_167 = tpu.memref_squeeze %dma_wait3A_166 : memref<1x56x128xf32, #tpu.memory_space<vmem>> -> memref<56x128xf32, #tpu.memory_space<vmem>>
    tpu.wait_dma2 semaphore(%dma_wait3A_159 : memref<!tpu.dma_semaphore, #tpu.memory_space<semaphore_mem>>) src(%dma_wait3A_167 : memref<56x128xf32, #tpu.memory_space<vmem>>) dst(%dma_wait3A_163 : memref<56x128xf32, #tpu.memory_space<hbm>>)
    return
  }
}

</mosaic_0001>

<sc_bundles>
// kernel: kernel.3.cloned.1.call-start
scs
__scs_entry_jumppad:
0x0: {  	(pc) =	sbr.rel $0x88, $3  }
0x1: {  	(tag) =	ssettag $0x0;
	lr =	simm.s32 $0x1  }
0x2: {  	[smem:$0x3F9F] =	sst lr;
	_ =	strace $0xD0000000  }
0x3: {  	_ = 	snop  }
0x4: {  	_ = 	snop  }
0x5: {  	_ = 	snop  }
0x6: {  	_ = 	snop  }
0x7: {  	_ = 	snop  }
__scs_overlays_trampoline_lowered:
0x8: {  	[smem:$0x3FAE] =	sst s0  }
0x9: {  	[smem:$0x3FAF] =	sst s1  }
0xa: {  	[smem:$0x3FB0] =	sst s2  }
0xb: {  	[smem:$0x3FB1] =	sst s3  }
0xc: {  	[smem:$0x3FB2] =	sst s4  }
0xd: {  	[smem:$0x3FB3] =	sst s5  }
0xe: {  	[smem:$0x3FB4] =	sst s6  }
0xf: {  	[smem:$0x3FB5] =	sst s7  }
0x10: {  	[smem:$0x3FB6] =	sst s8  }
0x11: {  	[smem:$0x3FB7] =	sst s9;
	s0 =	simm.s32 @!p0 $0x0  }
0x12: {  	s1 =	sld [smem:$0x3F9D];
	s0 =	simm.s32 @p0 $0x1  }
0x13: {  	[smem:$0x3FB8] =	sst s0;
	s0 =	simm.s32 @!p1 $0x0  }
0x14: {  	s2 =	sld [smem:$0x3F9C];
	s0 =	simm.s32 @p1 $0x1  }
0x15: {  	[smem:$0x3FB9] =	sst s0;
	s0 =	simm.s32 @!p2 $0x0  }
0x16: {  	s3 =	sld [smem:$0x3FDB];
	s0 =	simm.s32 @p2 $0x1  }
0x17: {  	s4 =	simm.s32 $0x1BF5;
	[smem:$0x3FBB] =	sst s0  }
0x18: {  	s0 =	sld [smem:$0x3F9E];
	_ =	swait.ge [sflag:s4], $0x0  }
0x19: {  	s7 =	sld [smem:$0x3F9F]  }
0x1a: {  	s8 =	sadd.s32 $0xFFFFE003, lr  }
0x1b: {  	s9 =	sadd.s32 $0xFFFFFEF7, lr;
	s5 =	simm.s32 $0xFFFFFFFF;
	p2 =	slt.u32 s8, $0xFFFFF086  }
0x1c: {  	p1 =	slt.u32 s9, $0xF7A;
	s5 =	simm.s32 @!p2 $0x0  }
0x1d: {  	s5 =	simm.s32 @p1 $0x1;
	p0 =	seq.s32 s7, s2  }
0x1e: {  	s7 =	smul.u32 @!p0 $0xF7A, s2;
	p2 =	seq.s32 @!p0 s5, $0x0  }
0x1f: {  	s9 =	smul.u32 $0xF7A, s1;
	s8 =	simm.s32 @!p0 $0x1BF5;
	p2 =	por !p2, p0  }
0x20: {  	[sflag:s8] =	ssyncset.s32 @!p0 $0xFFFFF086;
	s6 =	sadd.s32 @!p0 s3, s7;
	s7 =	simm.s32 @!p0 $0x108  }
0x21: {  	s3 =	sadd.s32 s3, s9;
	s6 =	sadd.s32 @!p0 $0x88, s6;
	s7 =	simm.s32 @p2 $0x1082  }
0x22: {  	[simem:s7], [sflag:s8] =	dma.local @!p0 [hbm:s6], $0xF7A  }
0x23: {  	s9 =	sor.u32 $0xD0000000, s2;
	s6 =	simm.s32 $0x108;
	_ =	swait.ge @!p0 [sflag:s8], $0x0  }
0x24: {  	s3 =	sadd.s32 $0x88, s3;
	s6 =	simm.s32 @!p1 $0x1082;
	[sflag:s4] =	ssyncset.s32 $0xFFFFF086  }
0x25: {  	[simem:s6], [sflag:s4] =	dma.local [hbm:s3], $0xF7A  }
0x26: {  	[smem:$0x3F9F] =	sst s1;
	(tag) =	ssettag s2;
	_ =	strace s9  }
0x27: {  	s1 =	sld [smem:$0x3FAF]  }
0x28: {  	s2 =	sld [smem:$0x3FB0]  }
0x29: {  	s4 =	sld [smem:$0x3FB2]  }
0x2a: {  	p0 =	seq.s32 s5, $0x0;
	s5 =	sld [smem:$0x3FB3]  }
0x2b: {  	s6 =	sld [smem:$0x3FB4]  }
0x2c: {  	s7 =	sld [smem:$0x3FB5]  }
0x2d: {  	s3 =	simm.s32 $0x108;
	s8 =	sld [smem:$0x3FB6]  }
0x2e: {  	s3 =	simm.s32 @!p0 $0x1082;
	s9 =	sld [smem:$0x3FB7]  }
0x2f: {  	lr =	sadd.s32 s0, s3;
	s0 =	sld [smem:$0x3FAE]  }
0x30: {  	s3 =	sld [smem:$0x3FB1]  }
0x31: {  	[smem:$0x3FBA] =	sst s10  }
0x32: {  	s10 =	sld [smem:$0x3FB8];
	_ =	sdelay $0x3  }
0x33: {  	p0 =	seq.s32 s10, $0x1;
	s10 =	sld [smem:$0x3FBA];
	_ =	sdelay $0x3  }
0x34: {  	[smem:$0x3FBA] =	sst s10  }
0x35: {  	s10 =	sld [smem:$0x3FB9];
	_ =	sdelay $0x3  }
0x36: {  	p1 =	seq.s32 s10, $0x1;
	s10 =	sld [smem:$0x3FBA];
	_ =	sdelay $0x3  }
0x37: {  	[smem:$0x3FBA] =	sst s10  }
0x38: {  	s10 =	sld [smem:$0x3FBB]  }
0x39: {  	_ = 	snop;
	(pc) =	sbr.ind lr, $3  }
0x3a: {  	_ = 	snop  }
0x3b: {  	_ = 	snop  }
0x3c: {  	p2 =	seq.s32 s10, $0x1;
	s10 =	sld [smem:$0x3FBA]  }
0x3d: {  	_ =	shalt  }
0x3e: {  	_ =	shalt  }
0x3f: {  	_ =	shalt  }
0x40: {  	_ =	shalt  }
0x41: {  	_ =	shalt  }
0x42: {  	_ =	shalt  }
0x43: {  	_ =	shalt  }
0x44: {  	_ =	shalt  }
0x45: {  	_ =	shalt  }
0x46: {  	_ =	shalt  }
0x47: {  	_ =	shalt  }
0x48: {  	_ =	shalt  }
0x49: {  	_ =	shalt  }
0x4a: {  	_ =	shalt  }
0x4b: {  	_ =	shalt  }
0x4c: {  	_ =	shalt  }
0x4d: {  	_ =	shalt  }
0x4e: {  	_ =	shalt  }
0x4f: {  	_ =	shalt  }
0x50: {  	_ =	shalt  }
0x51: {  	_ =	shalt  }
0x52: {  	_ =	shalt  }
0x53: {  	_ =	shalt  }
0x54: {  	_ =	shalt  }
0x55: {  	_ =	shalt  }
0x56: {  	_ =	shalt  }
0x57: {  	_ =	shalt  }
0x58: {  	_ =	shalt  }
0x59: {  	_ =	shalt  }
0x5a: {  	_ =	shalt  }
0x5b: {  	_ =	shalt  }
0x5c: {  	_ =	shalt  }
0x5d: {  	_ =	shalt  }
0x5e: {  	_ =	shalt  }
0x5f: {  	_ =	shalt  }
0x60: {  	_ =	shalt  }
0x61: {  	_ =	shalt  }
0x62: {  	_ =	shalt  }
0x63: {  	_ =	shalt  }
0x64: {  	_ =	shalt  }
0x65: {  	_ =	shalt  }
0x66: {  	_ =	shalt  }
0x67: {  	_ =	shalt  }
0x68: {  	_ =	shalt  }
0x69: {  	_ =	shalt  }
0x6a: {  	_ =	shalt  }
0x6b: {  	_ =	shalt  }
0x6c: {  	_ =	shalt  }
0x6d: {  	_ =	shalt  }
0x6e: {  	_ =	shalt  }
0x6f: {  	_ =	shalt  }
0x70: {  	_ =	shalt  }
0x71: {  	_ =	shalt  }
0x72: {  	_ =	shalt  }
0x73: {  	_ =	shalt  }
0x74: {  	_ =	shalt  }
0x75: {  	_ =	shalt  }
0x76: {  	_ =	shalt  }
0x77: {  	_ =	shalt  }
0x78: {  	_ =	shalt  }
0x79: {  	_ =	shalt  }
0x7a: {  	_ =	shalt  }
0x7b: {  	_ =	shalt  }
0x7c: {  	_ =	shalt  }
0x7d: {  	_ =	shalt  }
0x7e: {  	_ =	shalt  }
0x7f: {  	_ =	shalt  }
0x80: {  	_ =	shalt  }
0x81: {  	_ =	shalt  }
0x82: {  	_ =	shalt  }
0x83: {  	_ =	shalt  }
0x84: {  	_ =	shalt  }
0x85: {  	_ =	shalt  }
0x86: {  	_ =	shalt  }
0x87: {  	_ =	shalt  }
.Lfunc_end0:
.L_simem_size_0:
called_computation.1_lowered:
.L_overlay_start_0:
0x88: {  	s2 =	sld [smem:$0x3FD9]  }
0x89: {  	s3 =	sld [smem:$0x3FFE];
	_ =	sdelay $0x1  }
0x8a: {  	s1 =	srdreg.scid  }
0x8b: {  	s0 =	sand.u32 $0x1, s1  }
0x8c: {  	s17 =	sshll.u32 s0, $0xA;
	s2 =	sadd.s32 s3, s2  }
0x8d: {  	s2 =	sadd.s32 s2, s17  }
0x8e: {  	[smem:$0x3FC6] =	sst s2  }
0x8f: {  	_ = 	snop  }
0x90: {  	s2 =	sld [smem:$0x3FD0];
	(tm) =	ssettm $0x1  }
0x91: {  	s18 =	sld [smem:$0x3FFB];
	_ =	sdelay $0x3  }
0x92: {  	_ =	strace s18  }
0x93: {  	s3 =	sld [smem:$0x3FFC];
	_ =	sdelay $0x3  }
0x94: {  	_ =	strace s3  }
0x95: {  	s3 =	sld [smem:$0x3FFD];
	_ =	sdelay $0x3  }
0x96: {  	_ =	strace s3  }
0x97: {  	_ =	strace $0x8FFFFFFF  }
0x98: {  	s19 =	sld [smem:$0x3FDB];
	_ =	sdelay $0x1  }
0x99: {  	s4 =	simm.s32 $_scs_section_size  }
0x9a: {  	s5 =	simm.s32 $_size__tile_overlayer_lowered;
	s6 =	simm.s32 $_tile_overlayer_lowered  }
0x9b: {  	s22 =	simm.s32 $0x1BFF;
	s21 =	sshll.u32 s6, $0x1;
	s3 =	sadd.s32 s4, s19  }
0x9c: {  	s7 =	simm.s32 $0x0;
	s20 =	sshll.u32 s5, $0x1;
	s5 =	sadd.s32 s21, s3  }
0x9d: {  	[timem:s7], [sflag:s22] =	dma.local [hbm:s5], s20  }
0x9e: {  	_ =	swait.ge [sflag:s22], s20  }
0x9f: {  	s4 =	ssub.s32 $0x0, s20;
	[sflag:s22] =	ssyncset.done $0x0  }
0xa0: {  	[sflag:s22] =	ssyncadd.s32 s4;
	_ =	sdelay $0x1  }
0xa1: {  	s23 =	simm.s32 $0x1B8B  }
0xa2: {  	_ =	swait.ge [sflag:s23], $0x1  }
0xa3: {  	[sflag:s23] =	ssyncset.done $0x0  }
0xa4: {  	s25 =	simm.s32 $0x1B8E;
	s24 =	sld [smem:$0x3FFE];
	[sflag:s23] =	ssyncadd.s32 $0xFFFFFFFF  }
0xa5: {  	s26 =	simm.s32 $execute0_lowered;
	[smem:$0x3FD2] =	sst s25  }
0xa6: {  	s5 =	sshll.u32 s26, $0x1;
	_ =	strace $0x80000046;
	[dreg:$0x1] =	wrdreg $0xFFFFFFFF  }
0xa7: {  	s28 =	simm.s32 $_size_execute0_lowered;
	s3 =	sadd.s32 s3, s5;
	[dreg:$0x0] =	wrdreg $0x0  }
0xa8: {  	s5 =	sshll.u32 s28, $0x1;
	[dreg:$0x2] =	wrdreg s3  }
0xa9: {  	[dreg:$0x3] =	wrdreg s5  }
0xaa: {  	[dreg:$0x4] =	wrdreg $0xC0  }
0xab: {  	_ =	task [dreg:s7], $0x5FFFF  }
0xac: {  	[dreg:$0x1] =	wrdreg $0xFFFFFFFF  }
0xad: {  	[dreg:$0x0] =	wrdreg $0x60  }
0xae: {  	[dreg:$0x2] =	wrdreg s24  }
0xaf: {  	[dreg:$0x3] =	wrdreg s2  }
0xb0: {  	[dreg:$0x4] =	wrdreg $0x9  }
0xb1: {  	_ =	task.clear_ibuf [dreg:s7], $0x5FFFF;
	_ =	strace $0x90000046  }
0xb2: {  	s29 =	simm.s32 $0x9;
	_ =	strace $0x80000048  }
0xb3: {  	_ =	swait.ge [sflag:s29], $0x1  }
0xb4: {  	[sflag:s29] =	ssyncadd.s32 $0xFFFFFFFF  }
0xb5: {  	_ =	strace $0x90000048  }
0xb6: {  	_ =	sfence  }
0xb7: {  	s30 =	sld [smem:$0x0];
	_ =	sdelay $0x2  }
0xb8: {  	s31 =	sshll.u32 s1, $0xD;
	s1 =	sshrl.u32 s1, $0x2  }
0xb9: {  	s3 =	sand.u32 $0x4000, s31;
	s1 =	sadd.s32 s1, s30  }
0xba: {  	s0 =	sor.u32 s3, s0;
	s1 =	sshll.u32 s1, $0x11  }
0xbb: {  	s0 =	sor.u32 s1, s0  }
0xbc: {  	s0 =	sadd.s32 $0x8F2B, s0  }
0xbd: {  	[sflag:s0] =	ssyncadd.remote.s32 $0x1  }
0xbe: {  	_ =	sfence.sel $0xFFFF  }
0xbf: {  	[dreg:$0x0] =	wrdreg $0xFFFFFFFF;
	(pc) =	sbr.abs _section_cstart, $3  }
0xc0: {  	[dreg:$0x1] =	wrdreg $0xFFFFFFFF  }
0xc1: {  	_ =	task.clear_ibuf [dreg:s7], $0x2FFFF;
	_ =	strace $0x9FFFFFFF  }
0xc2: {  	(tm) =	ssettm $0x7FFFFFFF  }
0xc3: {  	_ =	shalt  }
tec
execute0_lowered:
.L_overlay_start_1:
0x0: {  	(tag) =	ssettag $0x1  }
0x1: {  	s0 =	rddreg [dreg:$0x0]  }
0x2: {  	s5 =	rddreg [dreg:$0x1];
	s3 =	srdreg.scid;
	s2 =	simm.s32 $0x0  }
0x3: {  	s1 =	stileid.u32;
	s23 =	simm.s32 $0x32;
	[smem:$0x7FF] =	sst s2  }
0x4: {  	s24 =	simm.s32 $0x7000;
	_ =	strace $0x80000047;
	[dreg:$0xa] =	wrdreg s23  }
0x5: {  	s25 =	simm.s32 $0x8C00;
	s26 =	simm.s32 $0xA800;
	[dreg:$0xb] =	wrdreg s24  }
0x6: {  	s28 =	simm.s32 $0xC400;
	s29 =	simm.s32 $0xE000;
	[dreg:$0xc] =	wrdreg s25  }
0x7: {  	s30 =	simm.s32 $0xFC00;
	s31 =	simm.s32 $0x11800;
	[dreg:$0xd] =	wrdreg s26  }
0x8: {  	s6 =	sand.u32 $0x1, s3;
	s7 =	smul.u32 $0x700000, s1;
	[dreg:$0xe] =	wrdreg s28  }
0x9: {  	s3 =	sadd.s32 $0xF42E00, s0;
	s4 =	sadd.s32 $0xA00, s0;
	[dreg:$0xf] =	wrdreg s29  }
0xa: {  	s12 =	sshll.u32 s1, $0x1;
	s20 =	smul.u32 $0xE0000, s1;
	[dreg:$0x10] =	wrdreg s30  }
0xb: {  	s8 =	smul.u32 $0x380000, s6;
	s9 =	ssub.s32 $0x2, s6;
	[dreg:$0x11] =	wrdreg s31  }
0xc: {  	s23 =	simm.s32 $0xF;
	s24 =	simm.s32 $0x10;
	s11 =	sshrl.u32 s9, $0x1  }
0xd: {  	s25 =	simm.s32 $0x0;
	s7 =	sadd.s32 s8, s7;
	s0 =	ssub.s32 s9, s11  }
0xe: {  	s8 =	sor.u32 s6, s12;
	s11 =	smul.u32 $0x70000, s6;
	s12 =	simm.s32 $0x4  }
0xf: {  	s13 =	sor.u32 $0xC400, s7;
	s10 =	sor.u32 $0xA800, s7;
	s15 =	sor.u32 $0x8C00, s7  }
0x10: {  	s17 =	sor.u32 $0x7000, s7;
	s8 =	smul.u32 $0xE00, s8;
	s19 =	sor.u32 $0x5400, s7  }
0x11: {  	s7 =	sor.u32 $0x3800, s7;
	s0 =	smax.u32 s0, $0x1;
	s9 =	sshrl.u32 s13, $0x3  }
0x12: {  	s14 =	sshrl.u32 s10, $0x3;
	s16 =	sshrl.u32 s15, $0x3;
	[dreg:$0x13] =	wrdreg s0  }
0x13: {  	s18 =	sshrl.u32 s17, $0x3;
	s7 =	sshrl.u32 s7, $0x3;
	[dreg:$0x3] =	wrdreg s9  }
0x14: {  	s22 =	sadd.s32 s11, s20;
	s10 =	simm.s32 $0x2;
	[dreg:$0x4] =	wrdreg s14  }
0x15: {  	s11 =	simm.s32 $0x3;
	s13 =	simm.s32 $0x5;
	[dreg:$0x5] =	wrdreg s16  }
0x16: {  	s15 =	simm.s32 $0x7;
	s20 =	simm.s32 $0xC;
	[dreg:$0x6] =	wrdreg s18  }
0x17: {  	s9 =	sshrl.u32 s19, $0x3;
	s21 =	sadd.s32 s5, s8;
	[dreg:$0x8] =	wrdreg s7  }
0x18: {  	[dreg:$0x9] =	wrdreg s22;
	s8 =	simm.s32 $0x13400;
	s14 =	simm.s32 $0x6  }
0x19: {  	s16 =	simm.s32 $0x8;
	s22 =	simm.s32 $0xE;
	[dreg:$0x12] =	wrdreg s21  }
0x1a: {  	[dreg:$0x7] =	wrdreg s9;
	s9 =	simm.s32 $0x1;
	s21 =	simm.s32 $0xD  }
.LBB2_1:
0x1b: {  	s0 =	rddreg [dreg:$0x12];
	s5 =	simm.s32 $0x11  }
0x1c: {  	[tilespmem:s2], [sflag:$0x11] =	stream.linear.gather [hbm4b:s0+s2], $0x7000, $0x38;
	[tilespmem:$0x15000] =	vst v63  }
0x1d: {  	p1 =	por $0x0, $0x0;
	_ =	swait.ge [sflag:s5], $0x7000  }
0x1e: {  	p0 =	por p1, p1;
	[sflag:s5] =	ssyncset.done $0x0  }
0x1f: {  	s0 =	simm.s32 @p0 $0x9;
	[sflag:s5] =	ssyncadd.s32 $0xFFFF9000  }
0x20: {  	_ =	swait.ge @p0 [sflag:s0], $0x1C00  }
0x21: {  	s26 =	simm.s32 @p0 $0x7000;
	s28 =	simm.s32 @p0 $0xA;
	[sflag:s0] =	ssyncset.done @p0 $0x0  }
0x22: {  	s29 =	simm.s32 @p0 $0x32;
	[sflag:s0] =	ssyncadd.s32 @p0 $0xFFFFE400;
	s0 =	simm.s32 @p0 $0x0  }
0x23: {  	[tilespmem:s26], [sflag:$0x1] =	stream.indirect.gather @p0 [hbm4b:s3+s29], $0x80, s0, s29, $0xb8;
	[tilespmem:$0x15000] =	vst v63  }
0x24: {  	_ =	swait.ge @p0 [sflag:s28], $0x1C00  }
0x25: {  	s0 =	simm.s32 @p0 $0x38;
	[sflag:s28] =	ssyncset.done @p0 $0x0  }
0x26: {  	s26 =	simm.s32 @p0 $0x8C00;
	[sflag:s28] =	ssyncadd.s32 @p0 $0xFFFFE400;
	s28 =	simm.s32 @p0 $0xB  }
0x27: {  	[tilespmem:s26], [sflag:$0x2] =	stream.indirect.gather @p0 [hbm4b:s3+s29], $0x80, s0, s29, $0xb8;
	[tilespmem:$0x15000] =	vst v63  }
0x28: {  	_ =	swait.ge @p0 [sflag:s28], $0x1C00  }
0x29: {  	s0 =	simm.s32 @p0 $0x70;
	[sflag:s28] =	ssyncset.done @p0 $0x0  }
0x2a: {  	s26 =	simm.s32 @p0 $0xA800;
	[sflag:s28] =	ssyncadd.s32 @p0 $0xFFFFE400;
	s28 =	simm.s32 @p0 $0xC  }
0x2b: {  	[tilespmem:s26], [sflag:$0x3] =	stream.indirect.gather @p0 [hbm4b:s3+s29], $0x80, s0, s29, $0xb8;
	[tilespmem:$0x15000] =	vst v63  }
0x2c: {  	_ =	swait.ge @p0 [sflag:s28], $0x1C00  }
0x2d: {  	s0 =	simm.s32 @p0 $0xA8;
	[sflag:s28] =	ssyncset.done @p0 $0x0  }
0x2e: {  	s26 =	simm.s32 @p0 $0xC400;
	[sflag:s28] =	ssyncadd.s32 @p0 $0xFFFFE400;
	s28 =	simm.s32 @p0 $0xD  }
0x2f: {  	[tilespmem:s26], [sflag:$0x4] =	stream.indirect.gather @p0 [hbm4b:s3+s29], $0x80, s0, s29, $0xb8;
	[tilespmem:$0x15000] =	vst v63  }
0x30: {  	_ =	swait.ge @p0 [sflag:s28], $0x1C00  }
0x31: {  	s0 =	simm.s32 @p0 $0xE0;
	[sflag:s28] =	ssyncset.done @p0 $0x0  }
0x32: {  	s26 =	simm.s32 @p0 $0xE000;
	[sflag:s28] =	ssyncadd.s32 @p0 $0xFFFFE400;
	s28 =	simm.s32 @p0 $0xE  }
0x33: {  	[tilespmem:s26], [sflag:$0x5] =	stream.indirect.gather @p0 [hbm4b:s3+s29], $0x80, s0, s29, $0xb8;
	[tilespmem:$0x15000] =	vst v63  }
0x34: {  	_ =	swait.ge @p0 [sflag:s28], $0x1C00  }
0x35: {  	s0 =	simm.s32 @p0 $0x118;
	[sflag:s28] =	ssyncset.done @p0 $0x0  }
0x36: {  	s26 =	simm.s32 @p0 $0xFC00;
	[sflag:s28] =	ssyncadd.s32 @p0 $0xFFFFE400;
	s28 =	simm.s32 @p0 $0xF  }
0x37: {  	[tilespmem:s26], [sflag:$0x6] =	stream.indirect.gather @p0 [hbm4b:s3+s29], $0x80, s0, s29, $0xb8;
	[tilespmem:$0x15000] =	vst v63  }
0x38: {  	_ =	swait.ge @p0 [sflag:s28], $0x1C00  }
0x39: {  	s0 =	simm.s32 @p0 $0x150;
	[sflag:s28] =	ssyncset.done @p0 $0x0  }
0x3a: {  	s26 =	simm.s32 @p0 $0x11800;
	[sflag:s28] =	ssyncadd.s32 @p0 $0xFFFFE400;
	s28 =	simm.s32 @p0 $0x10  }
0x3b: {  	[tilespmem:s26], [sflag:$0x7] =	stream.indirect.gather @p0 [hbm4b:s3+s29], $0x80, s0, s29, $0xb8;
	[tilespmem:$0x15000] =	vst v63  }
0x3c: {  	_ =	swait.ge @p0 [sflag:s28], $0x1C00  }
0x3d: {  	s0 =	simm.s32 @!p0 $0x7000;
	[sflag:s28] =	ssyncset.done @p0 $0x0  }
0x3e: {  	s26 =	simm.s32 @!p0 $0x32;
	[sflag:s28] =	ssyncadd.s32 @p0 $0xFFFFE400;
	s28 =	simm.s32 @!p0 $0x0  }
0x3f: {  	[tilespmem:s0], [sflag:$0x1] =	stream.indirect.gather @!p0 [hbm4b:s3+s26], $0x80, s28, s26, $0xb8;
	[tilespmem:$0x15000] =	vst v63  }
0x40: {  	s0 =	simm.s32 @!p0 $0x38;
	s28 =	simm.s32 @!p0 $0x8C00  }
0x41: {  	[tilespmem:s28], [sflag:$0x2] =	stream.indirect.gather @!p0 [hbm4b:s3+s26], $0x80, s0, s26, $0xb8;
	[tilespmem:$0x15000] =	vst v63  }
0x42: {  	s0 =	simm.s32 @!p0 $0x70;
	s28 =	simm.s32 @!p0 $0xA800  }
0x43: {  	[tilespmem:s28], [sflag:$0x3] =	stream.indirect.gather @!p0 [hbm4b:s3+s26], $0x80, s0, s26, $0xb8;
	[tilespmem:$0x15000] =	vst v63  }
0x44: {  	s29 =	simm.s32 @!p0 $0xC400;
	s28 =	simm.s32 @!p0 $0xA8  }
0x45: {  	[tilespmem:s29], [sflag:$0x4] =	stream.indirect.gather @!p0 [hbm4b:s3+s26], $0x80, s28, s26, $0xb8;
	[tilespmem:$0x15000] =	vst v63  }
0x46: {  	s0 =	simm.s32 $0x0;
	s28 =	simm.s32 @!p0 $0xE0;
	s29 =	simm.s32 @!p0 $0xE000  }
0x47: {  	[tilespmem:s29], [sflag:$0x5] =	stream.indirect.gather @!p0 [hbm4b:s3+s26], $0x80, s28, s26, $0xb8;
	[tilespmem:$0x15000] =	vst v63  }
0x48: {  	s0 =	simm.s32 @!p1 $0x0;
	s28 =	simm.s32 @!p0 $0x118;
	s29 =	simm.s32 @!p0 $0xFC00  }
0x49: {  	[tilespmem:s29], [sflag:$0x6] =	stream.indirect.gather @!p0 [hbm4b:s3+s26], $0x80, s28, s26, $0xb8;
	[tilespmem:$0x15000] =	vst v63  }
0x4a: {  	s0 =	sshra.s32 s0, $0x2;
	s28 =	simm.s32 @!p0 $0x150;
	s29 =	simm.s32 @!p0 $0x11800  }
0x4b: {  	[tilespmem:s29], [sflag:$0x7] =	stream.indirect.gather @!p0 [hbm4b:s3+s26], $0x80, s28, s26, $0xb8;
	[tilespmem:$0x15000] =	vst v63  }
0x4c: {  	s30 =	rddreg [dreg:$0xa];
	s0 =	sadd.s32 $0x188, s0  }
0x4d: {  	[tilespmem:s8], [sflag:$0x8] =	stream.indirect.gather [hbm4b:s3+s30], $0x80, s0, s30, $0xb8;
	[tilespmem:$0x15000] =	vst v63  }
0x4e: {  	_ =	swait.ge [sflag:s9], $0x1900  }
0x4f: {  	s6 =	rddreg [dreg:$0x9];
	[sflag:s9] =	ssyncset.done $0x0  }
0x50: {  	s7 =	rddreg [dreg:$0xb];
	[sflag:s9] =	ssyncadd.s32 $0xFFFFE700;
	s0 =	sadd.s32 s4, s6  }
0x51: {  	[hbm4b:s0+s2] =	stream.linear.scatter [tilespmem:s7], [sflag:$0x9], $0x1C00, $0x38;
	[tilespmem:$0x15000] =	vst v63  }
0x52: {  	_ =	swait.ge [sflag:s10], $0x1900  }
0x53: {  	[sflag:s10] =	ssyncset.done $0x0  }
0x54: {  	s0 =	sadd.s32 $0x380, s0;
	s17 =	rddreg [dreg:$0xc];
	[sflag:s10] =	ssyncadd.s32 $0xFFFFE700  }
0x55: {  	[hbm4b:s0+s2] =	stream.linear.scatter [tilespmem:s17], [sflag:$0xA], $0x1C00, $0x38;
	[tilespmem:$0x15000] =	vst v63  }
0x56: {  	_ =	swait.ge [sflag:s11], $0x1900  }
0x57: {  	s18 =	rddreg [dreg:$0x8];
	[sflag:s11] =	ssyncset.done $0x0  }
0x58: {  	s19 =	rddreg [dreg:$0xd];
	[sflag:s11] =	ssyncadd.s32 $0xFFFFE700;
	s0 =	sadd.s32 s4, s18  }
0x59: {  	[hbm4b:s0+s2] =	stream.linear.scatter [tilespmem:s19], [sflag:$0xB], $0x1C00, $0x38;
	[tilespmem:$0x15000] =	vst v63  }
0x5a: {  	_ =	swait.ge [sflag:s12], $0x1900  }
0x5b: {  	s31 =	rddreg [dreg:$0x7];
	[sflag:s12] =	ssyncset.done $0x0  }
0x5c: {  	s1 =	rddreg [dreg:$0xe];
	[sflag:s12] =	ssyncadd.s32 $0xFFFFE700;
	s0 =	sadd.s32 s4, s31  }
0x5d: {  	[hbm4b:s0+s2] =	stream.linear.scatter [tilespmem:s1], [sflag:$0xC], $0x1C00, $0x38;
	[tilespmem:$0x15000] =	vst v63  }
0x5e: {  	_ =	swait.ge [sflag:s13], $0x1900  }
0x5f: {  	s5 =	rddreg [dreg:$0x6];
	[sflag:s13] =	ssyncset.done $0x0  }
0x60: {  	s6 =	rddreg [dreg:$0xf];
	[sflag:s13] =	ssyncadd.s32 $0xFFFFE700;
	s0 =	sadd.s32 s4, s5  }
0x61: {  	[hbm4b:s0+s2] =	stream.linear.scatter [tilespmem:s6], [sflag:$0xD], $0x1C00, $0x38;
	[tilespmem:$0x15000] =	vst v63  }
0x62: {  	_ =	swait.ge [sflag:s14], $0x1900  }
0x63: {  	s7 =	rddreg [dreg:$0x5];
	[sflag:s14] =	ssyncset.done $0x0  }
0x64: {  	s17 =	rddreg [dreg:$0x10];
	[sflag:s14] =	ssyncadd.s32 $0xFFFFE700;
	s0 =	sadd.s32 s4, s7  }
0x65: {  	[hbm4b:s0+s2] =	stream.linear.scatter [tilespmem:s17], [sflag:$0xE], $0x1C00, $0x38;
	[tilespmem:$0x15000] =	vst v63  }
0x66: {  	_ =	swait.ge [sflag:s15], $0x1900  }
0x67: {  	p0 =	por $0x1, $0x1;
	s18 =	rddreg [dreg:$0x4];
	[sflag:s15] =	ssyncset.done $0x0  }
0x68: {  	s19 =	rddreg [dreg:$0x11];
	[sflag:s15] =	ssyncadd.s32 $0xFFFFE700;
	s0 =	sadd.s32 s4, s18  }
0x69: {  	[hbm4b:s0+s2] =	stream.linear.scatter [tilespmem:s19], [sflag:$0xF], $0x1C00, $0x38;
	[tilespmem:$0x15000] =	vst v63  }
0x6a: {  	s29 =	simm.s32 $0xE00;
	s26 =	sadd.s32 $0x1C00, s4;
	s0 =	simm.s32 $0x700  }
0x6b: {  	s30 =	simm.s32 $0x700;
	_ =	swait.ge [sflag:s16], $0x1900;
	s0 =	simm.s32 @!p0 $0x0  }
0x6c: {  	p0 =	por p0, p0;
	s31 =	rddreg [dreg:$0x3];
	[sflag:s16] =	ssyncset.done $0x0  }
0x6d: {  	s28 =	sshra.s32 s0, $0x2;
	[sflag:s16] =	ssyncadd.s32 $0xFFFFE700;
	s0 =	sadd.s32 s4, s31  }
.LBB2_2:
0x6e: {  	[hbm4b:s0+s2] =	stream.linear.scatter [tilespmem:s8], [sflag:$0x10], $0x1C00, $0x38;
	[tilespmem:$0x15000] =	vst v63  }
0x6f: {  	s0 =	simm.s32 @p0 $0x9  }
0x70: {  	s1 =	smov.u32 s29;
	s5 =	simm.s32 @p0 $0x7000;
	_ =	swait.ge @p0 [sflag:s0], $0x1C00  }
0x71: {  	s6 =	simm.s32 @p0 $0xA;
	s30 =	sshra.s32 @p0 s30, $0x2;
	[sflag:s0] =	ssyncset.done @p0 $0x0  }
0x72: {  	s19 =	simm.s32 @p0 $0xB;
	[sflag:s0] =	ssyncadd.s32 @p0 $0xFFFFE400;
	s0 =	simm.s32 @p0 $0x32  }
0x73: {  	[tilespmem:s5], [sflag:$0x1] =	stream.indirect.gather @p0 [hbm4b:s3+s0], $0x80, s30, s0, $0xb8;
	[tilespmem:$0x15000] =	vst v63  }
0x74: {  	p2 =	sne.s32 s1, $0x0;
	s31 =	smov.u32 s1;
	_ =	swait.ge @p0 [sflag:s6], $0x1C00  }
0x75: {  	s7 =	sadd.s32 @p0 $0xA8, s30;
	s17 =	sadd.s32 @p0 $0x70, s30;
	[sflag:s6] =	ssyncset.done @p0 $0x0  }
0x76: {  	s5 =	sadd.s32 @p0 $0x38, s30;
	[sflag:s6] =	ssyncadd.s32 @p0 $0xFFFFE400;
	s6 =	simm.s32 @p0 $0x8C00  }
0x77: {  	[tilespmem:s6], [sflag:$0x2] =	stream.indirect.gather @p0 [hbm4b:s3+s0], $0x80, s5, s0, $0xb8;
	[tilespmem:$0x15000] =	vst v63  }
0x78: {  	s18 =	sadd.s32 @p0 $0xE0, s30;
	s5 =	sadd.s32 @p0 $0x118, s30;
	_ =	swait.ge @p0 [sflag:s19], $0x1C00  }
0x79: {  	s6 =	sadd.s32 @p0 $0x150, s30;
	s30 =	smov.u32 s1;
	[sflag:s19] =	ssyncset.done @p0 $0x0  }
0x7a: {  	s1 =	simm.s32 @p0 $0xA800;
	[sflag:s19] =	ssyncadd.s32 @p0 $0xFFFFE400;
	s19 =	simm.s32 @p0 $0xC  }
0x7b: {  	[tilespmem:s1], [sflag:$0x3] =	stream.indirect.gather @p0 [hbm4b:s3+s0], $0x80, s17, s0, $0xb8;
	[tilespmem:$0x15000] =	vst v63  }
0x7c: {  	_ =	swait.ge @p0 [sflag:s19], $0x1C00  }
0x7d: {  	[sflag:s19] =	ssyncset.done @p0 $0x0  }
0x7e: {  	s1 =	simm.s32 @p0 $0xC400;
	s17 =	simm.s32 @p0 $0xD;
	[sflag:s19] =	ssyncadd.s32 @p0 $0xFFFFE400  }
0x7f: {  	[tilespmem:s1], [sflag:$0x4] =	stream.indirect.gather @p0 [hbm4b:s3+s0], $0x80, s7, s0, $0xb8;
	[tilespmem:$0x15000] =	vst v63  }
0x80: {  	_ =	swait.ge @p0 [sflag:s17], $0x1C00  }
0x81: {  	[sflag:s17] =	ssyncset.done @p0 $0x0  }
0x82: {  	s1 =	simm.s32 @p0 $0xE000;
	s7 =	simm.s32 @p0 $0xE;
	[sflag:s17] =	ssyncadd.s32 @p0 $0xFFFFE400  }
0x83: {  	[tilespmem:s1], [sflag:$0x5] =	stream.indirect.gather @p0 [hbm4b:s3+s0], $0x80, s18, s0, $0xb8;
	[tilespmem:$0x15000] =	vst v63  }
0x84: {  	_ =	swait.ge @p0 [sflag:s7], $0x1C00  }
0x85: {  	[sflag:s7] =	ssyncset.done @p0 $0x0  }
0x86: {  	s1 =	simm.s32 @p0 $0xFC00;
	[sflag:s7] =	ssyncadd.s32 @p0 $0xFFFFE400;
	s7 =	simm.s32 @p0 $0xF  }
0x87: {  	[tilespmem:s1], [sflag:$0x6] =	stream.indirect.gather @p0 [hbm4b:s3+s0], $0x80, s5, s0, $0xb8;
	[tilespmem:$0x15000] =	vst v63  }
0x88: {  	_ =	swait.ge @p0 [sflag:s7], $0x1C00  }
0x89: {  	[sflag:s7] =	ssyncset.done @p0 $0x0  }
0x8a: {  	s1 =	simm.s32 @p0 $0x11800;
	s5 =	simm.s32 @p0 $0x10;
	[sflag:s7] =	ssyncadd.s32 @p0 $0xFFFFE400  }
0x8b: {  	[tilespmem:s1], [sflag:$0x7] =	stream.indirect.gather @p0 [hbm4b:s3+s0], $0x80, s6, s0, $0xb8;
	[tilespmem:$0x15000] =	vst v63  }
0x8c: {  	_ =	swait.ge @p0 [sflag:s5], $0x1C00  }
0x8d: {  	s0 =	simm.s32 @!p0 $0x7000;
	[sflag:s5] =	ssyncset.done @p0 $0x0  }
0x8e: {  	s1 =	simm.s32 @!p0 $0x32;
	[sflag:s5] =	ssyncadd.s32 @p0 $0xFFFFE400;
	s5 =	simm.s32 @!p0 $0x0  }
0x8f: {  	[tilespmem:s0], [sflag:$0x1] =	stream.indirect.gather @!p0 [hbm4b:s3+s1], $0x80, s5, s1, $0xb8;
	[tilespmem:$0x15000] =	vst v63  }
0x90: {  	s0 =	simm.s32 @!p0 $0x38;
	s5 =	simm.s32 @!p0 $0x8C00  }
0x91: {  	[tilespmem:s5], [sflag:$0x2] =	stream.indirect.gather @!p0 [hbm4b:s3+s1], $0x80, s0, s1, $0xb8;
	[tilespmem:$0x15000] =	vst v63  }
0x92: {  	s0 =	simm.s32 @!p0 $0x70;
	s5 =	simm.s32 @!p0 $0xA800  }
0x93: {  	[tilespmem:s5], [sflag:$0x3] =	stream.indirect.gather @!p0 [hbm4b:s3+s1], $0x80, s0, s1, $0xb8;
	[tilespmem:$0x15000] =	vst v63  }
0x94: {  	s0 =	simm.s32 @!p0 $0xA8;
	s5 =	simm.s32 @!p0 $0xC400  }
0x95: {  	[tilespmem:s5], [sflag:$0x4] =	stream.indirect.gather @!p0 [hbm4b:s3+s1], $0x80, s0, s1, $0xb8;
	[tilespmem:$0x15000] =	vst v63  }
0x96: {  	s0 =	simm.s32 @!p0 $0xE0;
	s5 =	simm.s32 @!p0 $0xE000  }
0x97: {  	[tilespmem:s5], [sflag:$0x5] =	stream.indirect.gather @!p0 [hbm4b:s3+s1], $0x80, s0, s1, $0xb8;
	[tilespmem:$0x15000] =	vst v63  }
0x98: {  	s0 =	simm.s32 @!p0 $0x118;
	s5 =	simm.s32 @!p0 $0xFC00  }
0x99: {  	[tilespmem:s5], [sflag:$0x6] =	stream.indirect.gather @!p0 [hbm4b:s3+s1], $0x80, s0, s1, $0xb8;
	[tilespmem:$0x15000] =	vst v63  }
0x9a: {  	s0 =	simm.s32 @!p0 $0x150;
	s5 =	simm.s32 @!p0 $0x11800  }
0x9b: {  	[tilespmem:s5], [sflag:$0x7] =	stream.indirect.gather @!p0 [hbm4b:s3+s1], $0x80, s0, s1, $0xb8;
	[tilespmem:$0x15000] =	vst v63  }
0x9c: {  	s19 =	rddreg [dreg:$0xa];
	s1 =	sadd.s32 $0x188, s28  }
0x9d: {  	[tilespmem:s8], [sflag:$0x8] =	stream.indirect.gather [hbm4b:s3+s19], $0x80, s1, s19, $0xb8;
	[tilespmem:$0x15000] =	vst v63  }
0x9e: {  	_ =	swait.ge [sflag:s9], $0x1900  }
0x9f: {  	s5 =	rddreg [dreg:$0x9];
	[sflag:s9] =	ssyncset.done $0x0  }
0xa0: {  	s6 =	rddreg [dreg:$0xb];
	[sflag:s9] =	ssyncadd.s32 $0xFFFFE700;
	s0 =	sadd.s32 s26, s5  }
0xa1: {  	[hbm4b:s0+s2] =	stream.linear.scatter [tilespmem:s6], [sflag:$0x9], $0x1C00, $0x38;
	[tilespmem:$0x15000] =	vst v63  }
0xa2: {  	_ =	swait.ge [sflag:s10], $0x1900  }
0xa3: {  	[sflag:s10] =	ssyncset.done $0x0  }
0xa4: {  	s0 =	sadd.s32 $0x380, s0;
	s7 =	rddreg [dreg:$0xc];
	[sflag:s10] =	ssyncadd.s32 $0xFFFFE700  }
0xa5: {  	[hbm4b:s0+s2] =	stream.linear.scatter [tilespmem:s7], [sflag:$0xA], $0x1C00, $0x38;
	[tilespmem:$0x15000] =	vst v63  }
0xa6: {  	_ =	swait.ge [sflag:s11], $0x1900  }
0xa7: {  	s31 =	simm.s32 @!p2 $0x0;
	s17 =	rddreg [dreg:$0x8];
	[sflag:s11] =	ssyncset.done $0x0  }
0xa8: {  	s18 =	rddreg [dreg:$0xd];
	[sflag:s11] =	ssyncadd.s32 $0xFFFFE700;
	s0 =	sadd.s32 s26, s17  }
0xa9: {  	[hbm4b:s0+s2] =	stream.linear.scatter [tilespmem:s18], [sflag:$0xB], $0x1C00, $0x38;
	[tilespmem:$0x15000] =	vst v63  }
0xaa: {  	s31 =	sshra.s32 s31, $0x2;
	_ =	swait.ge [sflag:s12], $0x1900  }
0xab: {  	s28 =	smov.u32 s31;
	s19 =	rddreg [dreg:$0x7];
	[sflag:s12] =	ssyncset.done $0x0  }
0xac: {  	s31 =	rddreg [dreg:$0xe];
	[sflag:s12] =	ssyncadd.s32 $0xFFFFE700;
	s0 =	sadd.s32 s26, s19  }
0xad: {  	[hbm4b:s0+s2] =	stream.linear.scatter [tilespmem:s31], [sflag:$0xC], $0x1C00, $0x38;
	[tilespmem:$0x15000] =	vst v63  }
0xae: {  	_ =	swait.ge [sflag:s13], $0x1900  }
0xaf: {  	s5 =	rddreg [dreg:$0x6];
	[sflag:s13] =	ssyncset.done $0x0  }
0xb0: {  	s6 =	rddreg [dreg:$0xf];
	[sflag:s13] =	ssyncadd.s32 $0xFFFFE700;
	s0 =	sadd.s32 s26, s5  }
0xb1: {  	[hbm4b:s0+s2] =	stream.linear.scatter [tilespmem:s6], [sflag:$0xD], $0x1C00, $0x38;
	[tilespmem:$0x15000] =	vst v63  }
0xb2: {  	_ =	swait.ge [sflag:s14], $0x1900  }
0xb3: {  	s7 =	rddreg [dreg:$0x5];
	[sflag:s14] =	ssyncset.done $0x0  }
0xb4: {  	s17 =	rddreg [dreg:$0x10];
	[sflag:s14] =	ssyncadd.s32 $0xFFFFE700;
	s0 =	sadd.s32 s26, s7  }
0xb5: {  	[hbm4b:s0+s2] =	stream.linear.scatter [tilespmem:s17], [sflag:$0xE], $0x1C00, $0x38;
	[tilespmem:$0x15000] =	vst v63  }
0xb6: {  	_ =	swait.ge [sflag:s15], $0x1900  }
0xb7: {  	s29 =	sadd.s32 $0x700, s29;
	s18 =	rddreg [dreg:$0x4]  }
0xb8: {  	p1 =	sne.s32 s29, $0x1C000;
	s19 =	rddreg [dreg:$0x11];
	[sflag:s15] =	ssyncset.done $0x0  }
.Ltmp0:
0xb9: {  	[sflag:s15] =	ssyncadd.s32 $0xFFFFE700;
	s0 =	sadd.s32 s26, s18;
	(pc) =	sbr.rel @p1 .LBB2_2-.Ltmp0, $4  }
0xba: {  	[hbm4b:s0+s2] =	stream.linear.scatter [tilespmem:s19], [sflag:$0xF], $0x1C00, $0x38;
	[tilespmem:$0x15000] =	vst v63  }
0xbb: {  	_ =	swait.ge [sflag:s16], $0x1900  }
0xbc: {  	p0 =	por p2, p2;
	[sflag:s16] =	ssyncset.done $0x0;
	s31 =	rddreg [dreg:$0x3]  }
0xbd: {  	[sflag:s16] =	ssyncadd.s32 $0xFFFFE700;
	s0 =	sadd.s32 s26, s31;
	s26 =	sadd.s32 $0x1C00, s26  }
0xbe: {  	[hbm4b:s0+s2] =	stream.linear.scatter [tilespmem:s8], [sflag:$0x10], $0x1C00, $0x38;
	[tilespmem:$0x15000] =	vst v63  }
0xbf: {  	s0 =	simm.s32 @p0 $0x9  }
0xc0: {  	_ =	swait.ge @p0 [sflag:s0], $0x1C00  }
0xc1: {  	s1 =	simm.s32 @p0 $0x7000;
	s5 =	simm.s32 @p0 $0xA;
	[sflag:s0] =	ssyncset.done @p0 $0x0  }
0xc2: {  	s6 =	simm.s32 @p0 $0x32;
	[sflag:s0] =	ssyncadd.s32 @p0 $0xFFFFE400;
	s0 =	sshra.s32 @p0 s30, $0x2  }
0xc3: {  	[tilespmem:s1], [sflag:$0x1] =	stream.indirect.gather @p0 [hbm4b:s3+s6], $0x80, s0, s6, $0xb8;
	[tilespmem:$0x15000] =	vst v63  }
0xc4: {  	_ =	swait.ge @p0 [sflag:s5], $0x1C00  }
0xc5: {  	[sflag:s5] =	ssyncset.done @p0 $0x0  }
0xc6: {  	s1 =	sadd.s32 @p0 $0x38, s0;
	[sflag:s5] =	ssyncadd.s32 @p0 $0xFFFFE400;
	s5 =	simm.s32 @p0 $0x8C00  }
0xc7: {  	[tilespmem:s5], [sflag:$0x2] =	stream.indirect.gather @p0 [hbm4b:s3+s6], $0x80, s1, s6, $0xb8;
	[tilespmem:$0x15000] =	vst v63  }
0xc8: {  	s1 =	simm.s32 @p0 $0xB  }
0xc9: {  	_ =	swait.ge @p0 [sflag:s1], $0x1C00  }
0xca: {  	[sflag:s1] =	ssyncset.done @p0 $0x0  }
0xcb: {  	s5 =	sadd.s32 @p0 $0x70, s0;
	[sflag:s1] =	ssyncadd.s32 @p0 $0xFFFFE400;
	s1 =	simm.s32 @p0 $0xA800  }
0xcc: {  	[tilespmem:s1], [sflag:$0x3] =	stream.indirect.gather @p0 [hbm4b:s3+s6], $0x80, s5, s6, $0xb8;
	[tilespmem:$0x15000] =	vst v63  }
0xcd: {  	s1 =	simm.s32 @p0 $0xC  }
0xce: {  	_ =	swait.ge @p0 [sflag:s1], $0x1C00  }
0xcf: {  	[sflag:s1] =	ssyncset.done @p0 $0x0  }
0xd0: {  	s5 =	sadd.s32 @p0 $0xA8, s0;
	[sflag:s1] =	ssyncadd.s32 @p0 $0xFFFFE400;
	s1 =	simm.s32 @p0 $0xC400  }
0xd1: {  	[tilespmem:s1], [sflag:$0x4] =	stream.indirect.gather @p0 [hbm4b:s3+s6], $0x80, s5, s6, $0xb8;
	[tilespmem:$0x15000] =	vst v63  }
0xd2: {  	s1 =	simm.s32 @p0 $0xD  }
0xd3: {  	_ =	swait.ge @p0 [sflag:s1], $0x1C00  }
0xd4: {  	[sflag:s1] =	ssyncset.done @p0 $0x0  }
0xd5: {  	s5 =	sadd.s32 @p0 $0xE0, s0;
	[sflag:s1] =	ssyncadd.s32 @p0 $0xFFFFE400;
	s1 =	simm.s32 @p0 $0xE000  }
0xd6: {  	[tilespmem:s1], [sflag:$0x5] =	stream.indirect.gather @p0 [hbm4b:s3+s6], $0x80, s5, s6, $0xb8;
	[tilespmem:$0x15000] =	vst v63  }
0xd7: {  	s1 =	simm.s32 @p0 $0xE  }
0xd8: {  	_ =	swait.ge @p0 [sflag:s1], $0x1C00  }
0xd9: {  	[sflag:s1] =	ssyncset.done @p0 $0x0  }
0xda: {  	s5 =	sadd.s32 @p0 $0x118, s0;
	[sflag:s1] =	ssyncadd.s32 @p0 $0xFFFFE400;
	s1 =	simm.s32 @p0 $0xFC00  }
0xdb: {  	[tilespmem:s1], [sflag:$0x6] =	stream.indirect.gather @p0 [hbm4b:s3+s6], $0x80, s5, s6, $0xb8;
	[tilespmem:$0x15000] =	vst v63  }
0xdc: {  	s1 =	simm.s32 @p0 $0xF  }
0xdd: {  	_ =	swait.ge @p0 [sflag:s1], $0x1C00  }
0xde: {  	s0 =	sadd.s32 @p0 $0x150, s0;
	[sflag:s1] =	ssyncset.done @p0 $0x0  }
0xdf: {  	s5 =	simm.s32 @p0 $0x10;
	[sflag:s1] =	ssyncadd.s32 @p0 $0xFFFFE400;
	s1 =	simm.s32 @p0 $0x11800  }
0xe0: {  	[tilespmem:s1], [sflag:$0x7] =	stream.indirect.gather @p0 [hbm4b:s3+s6], $0x80, s0, s6, $0xb8;
	[tilespmem:$0x15000] =	vst v63  }
0xe1: {  	_ =	swait.ge @p0 [sflag:s5], $0x1C00  }
0xe2: {  	s0 =	simm.s32 @!p0 $0x7000;
	[sflag:s5] =	ssyncset.done @p0 $0x0  }
0xe3: {  	s1 =	simm.s32 @!p0 $0x32;
	[sflag:s5] =	ssyncadd.s32 @p0 $0xFFFFE400;
	s5 =	simm.s32 @!p0 $0x0  }
0xe4: {  	[tilespmem:s0], [sflag:$0x1] =	stream.indirect.gather @!p0 [hbm4b:s3+s1], $0x80, s5, s1, $0xb8;
	[tilespmem:$0x15000] =	vst v63  }
0xe5: {  	s0 =	simm.s32 @!p0 $0x38;
	s5 =	simm.s32 @!p0 $0x8C00  }
0xe6: {  	[tilespmem:s5], [sflag:$0x2] =	stream.indirect.gather @!p0 [hbm4b:s3+s1], $0x80, s0, s1, $0xb8;
	[tilespmem:$0x15000] =	vst v63  }
0xe7: {  	s0 =	simm.s32 @!p0 $0x70;
	s5 =	simm.s32 @!p0 $0xA800  }
0xe8: {  	[tilespmem:s5], [sflag:$0x3] =	stream.indirect.gather @!p0 [hbm4b:s3+s1], $0x80, s0, s1, $0xb8;
	[tilespmem:$0x15000] =	vst v63  }
0xe9: {  	s0 =	simm.s32 @!p0 $0xA8;
	s5 =	simm.s32 @!p0 $0xC400  }
0xea: {  	[tilespmem:s5], [sflag:$0x4] =	stream.indirect.gather @!p0 [hbm4b:s3+s1], $0x80, s0, s1, $0xb8;
	[tilespmem:$0x15000] =	vst v63  }
0xeb: {  	s0 =	simm.s32 @!p0 $0xE0;
	s5 =	simm.s32 @!p0 $0xE000  }
0xec: {  	[tilespmem:s5], [sflag:$0x5] =	stream.indirect.gather @!p0 [hbm4b:s3+s1], $0x80, s0, s1, $0xb8;
	[tilespmem:$0x15000] =	vst v63  }
0xed: {  	s0 =	simm.s32 @!p0 $0x118;
	s5 =	simm.s32 @!p0 $0xFC00  }
0xee: {  	[tilespmem:s5], [sflag:$0x6] =	stream.indirect.gather @!p0 [hbm4b:s3+s1], $0x80, s0, s1, $0xb8;
	[tilespmem:$0x15000] =	vst v63  }
0xef: {  	s0 =	simm.s32 @!p0 $0x150;
	s5 =	simm.s32 @!p0 $0x11800  }
0xf0: {  	[tilespmem:s5], [sflag:$0x7] =	stream.indirect.gather @!p0 [hbm4b:s3+s1], $0x80, s0, s1, $0xb8;
	[tilespmem:$0x15000] =	vst v63  }
0xf1: {  	s7 =	sadd.s32 $0x188, s28;
	s31 =	rddreg [dreg:$0xa]  }
0xf2: {  	[tilespmem:s8], [sflag:$0x8] =	stream.indirect.gather [hbm4b:s3+s31], $0x80, s7, s31, $0xb8;
	[tilespmem:$0x15000] =	vst v63  }
0xf3: {  	_ =	swait.ge [sflag:s9], $0x1900  }
0xf4: {  	s17 =	rddreg [dreg:$0x9];
	[sflag:s9] =	ssyncset.done $0x0  }
0xf5: {  	s18 =	rddreg [dreg:$0xb];
	[sflag:s9] =	ssyncadd.s32 $0xFFFFE700;
	s0 =	sadd.s32 s26, s17  }
0xf6: {  	[hbm4b:s0+s2] =	stream.linear.scatter [tilespmem:s18], [sflag:$0x9], $0x1C00, $0x38;
	[tilespmem:$0x15000] =	vst v63  }
0xf7: {  	_ =	swait.ge [sflag:s10], $0x1900  }
0xf8: {  	[sflag:s10] =	ssyncset.done $0x0  }
0xf9: {  	s0 =	sadd.s32 $0x380, s0;
	s19 =	rddreg [dreg:$0xc];
	[sflag:s10] =	ssyncadd.s32 $0xFFFFE700  }
0xfa: {  	[hbm4b:s0+s2] =	stream.linear.scatter [tilespmem:s19], [sflag:$0xA], $0x1C00, $0x38;
	[tilespmem:$0x15000] =	vst v63  }
0xfb: {  	_ =	swait.ge [sflag:s11], $0x1900  }
0xfc: {  	s28 =	rddreg [dreg:$0x8];
	[sflag:s11] =	ssyncset.done $0x0  }
0xfd: {  	s29 =	rddreg [dreg:$0xd];
	[sflag:s11] =	ssyncadd.s32 $0xFFFFE700;
	s0 =	sadd.s32 s26, s28  }
0xfe: {  	[hbm4b:s0+s2] =	stream.linear.scatter [tilespmem:s29], [sflag:$0xB], $0x1C00, $0x38;
	[tilespmem:$0x15000] =	vst v63  }
0xff: {  	_ =	swait.ge [sflag:s12], $0x1900  }
0x100: {  	s30 =	rddreg [dreg:$0x7];
	[sflag:s12] =	ssyncset.done $0x0  }
0x101: {  	s31 =	rddreg [dreg:$0xe];
	[sflag:s12] =	ssyncadd.s32 $0xFFFFE700;
	s0 =	sadd.s32 s26, s30  }
0x102: {  	[hbm4b:s0+s2] =	stream.linear.scatter [tilespmem:s31], [sflag:$0xC], $0x1C00, $0x38;
	[tilespmem:$0x15000] =	vst v63  }
0x103: {  	_ =	swait.ge [sflag:s13], $0x1900  }
0x104: {  	s1 =	rddreg [dreg:$0x6];
	[sflag:s13] =	ssyncset.done $0x0  }
0x105: {  	s5 =	rddreg [dreg:$0xf];
	[sflag:s13] =	ssyncadd.s32 $0xFFFFE700;
	s0 =	sadd.s32 s26, s1  }
0x106: {  	[hbm4b:s0+s2] =	stream.linear.scatter [tilespmem:s5], [sflag:$0xD], $0x1C00, $0x38;
	[tilespmem:$0x15000] =	vst v63  }
0x107: {  	_ =	swait.ge [sflag:s14], $0x1900  }
0x108: {  	s6 =	rddreg [dreg:$0x5];
	[sflag:s14] =	ssyncset.done $0x0  }
0x109: {  	s7 =	rddreg [dreg:$0x10];
	[sflag:s14] =	ssyncadd.s32 $0xFFFFE700;
	s0 =	sadd.s32 s26, s6  }
0x10a: {  	[hbm4b:s0+s2] =	stream.linear.scatter [tilespmem:s7], [sflag:$0xE], $0x1C00, $0x38;
	[tilespmem:$0x15000] =	vst v63  }
0x10b: {  	_ =	swait.ge [sflag:s15], $0x1900  }
0x10c: {  	s17 =	rddreg [dreg:$0x4];
	[sflag:s15] =	ssyncset.done $0x0  }
0x10d: {  	s18 =	rddreg [dreg:$0x11];
	[sflag:s15] =	ssyncadd.s32 $0xFFFFE700;
	s0 =	sadd.s32 s26, s17  }
0x10e: {  	[hbm4b:s0+s2] =	stream.linear.scatter [tilespmem:s18], [sflag:$0xF], $0x1C00, $0x38;
	[tilespmem:$0x15000] =	vst v63  }
0x10f: {  	_ =	swait.ge [sflag:s16], $0x1900  }
0x110: {  	s19 =	rddreg [dreg:$0x3];
	[sflag:s16] =	ssyncset.done $0x0  }
0x111: {  	s28 =	simm.s32 $0x9;
	s0 =	sadd.s32 s26, s19;
	[sflag:s16] =	ssyncadd.s32 $0xFFFFE700  }
0x112: {  	[hbm4b:s0+s2] =	stream.linear.scatter [tilespmem:s8], [sflag:$0x10], $0x1C00, $0x38;
	[tilespmem:$0x15000] =	vst v63  }
0x113: {  	_ =	swait.ge [sflag:s28], $0x1C00  }
0x114: {  	[sflag:s28] =	ssyncset.done $0x0  }
0x115: {  	s29 =	simm.s32 $0xA;
	[sflag:s28] =	ssyncadd.s32 $0xFFFFE400  }
0x116: {  	_ =	swait.ge [sflag:s29], $0x1C00  }
0x117: {  	[sflag:s29] =	ssyncset.done $0x0  }
0x118: {  	s30 =	simm.s32 $0xB;
	[sflag:s29] =	ssyncadd.s32 $0xFFFFE400  }
0x119: {  	_ =	swait.ge [sflag:s30], $0x1C00  }
0x11a: {  	[sflag:s30] =	ssyncset.done $0x0  }
0x11b: {  	[sflag:s30] =	ssyncadd.s32 $0xFFFFE400  }
0x11c: {  	_ =	swait.ge [sflag:s20], $0x1C00  }
0x11d: {  	[sflag:s20] =	ssyncset.done $0x0  }
0x11e: {  	[sflag:s20] =	ssyncadd.s32 $0xFFFFE400  }
0x11f: {  	_ =	swait.ge [sflag:s21], $0x1C00  }
0x120: {  	[sflag:s21] =	ssyncset.done $0x0  }
0x121: {  	[sflag:s21] =	ssyncadd.s32 $0xFFFFE400  }
0x122: {  	_ =	swait.ge [sflag:s22], $0x1C00  }
0x123: {  	[sflag:s22] =	ssyncset.done $0x0  }
0x124: {  	[sflag:s22] =	ssyncadd.s32 $0xFFFFE400  }
0x125: {  	_ =	swait.ge [sflag:s23], $0x1C00  }
0x126: {  	[sflag:s23] =	ssyncset.done $0x0  }
0x127: {  	[sflag:s23] =	ssyncadd.s32 $0xFFFFE400  }
0x128: {  	_ =	swait.ge [sflag:s24], $0x1C00  }
0x129: {  	s25 =	sadd.s32 $0x1, s25;
	s31 =	rddreg [dreg:$0x13]  }
0x12a: {  	p0 =	sne.s32 s25, s31  }
.Ltmp1:
0x12b: {  	_ = 	snop;
	(pc) =	sbr.rel @p0 .LBB2_1-.Ltmp1, $3  }
0x12c: {  	_ =	sdelay $0x1  }
0x12d: {  	[sflag:s24] =	ssyncset.done $0x0  }
0x12e: {  	[sflag:s24] =	ssyncadd.s32 $0xFFFFE400  }
0x12f: {  	_ =	sfence.sel $0x180000  }
0x130: {  	[bflag:$0x0] =	sbarrier.arrive $0xFFFF  }
0x131: {  	_ =	strace $0x90000047  }
0x132: {  	s0 =	stileid.u32;
	[bflag:$0x2] =	sbarrier.arrive $0xFFFF  }
0x133: {  	p0 =	sne.s32 s0, $0x0;
	s0 =	rddreg [dreg:$0x2]  }
0x134: {  	s0 =	sadd.s32 @!p0 $0x100000, s0  }
0x135: {  	[sflag:s0] =	ssyncadd.tile.s32 @!p0 $0x1;
	_ =	shalt  }
.Lfunc_end2:
_tile_overlayer_lowered:
.L_overlay_start_2:
0x136: {  	(tag) =	ssettag $0x2  }
0x137: {  	s0 =	rddreg [dreg:$0x0];
	s2 =	stileid.u32  }
0x138: {  	s1 =	rddreg [dreg:$0x1];
	p0 =	sne.s32 s2, $0x0  }
0x139: {  	s3 =	rddreg [dreg:$0x2];
	[bflag:$0x3] =	sbarrier.arrive $0xFFFF;
	s2 =	simm.s32 @!p0 $0x1C11  }
0x13a: {  	[timem:s3], [sflag:s2] =	dma.local @!p0 [hbm:s0], s1  }
0x13b: {  	s0 =	simm.s32 @!p0 $0x11  }
0x13c: {  	_ =	swait.ge @!p0 [sflag:s0], s1  }
0x13d: {  	s1 =	ssub.s32 @!p0 $0x0, s1;
	[sflag:s0] =	ssyncset.done @!p0 $0x0  }
0x13e: {  	[sflag:s0] =	ssyncadd.s32 @!p0 s1  }
0x13f: {  	[bflag:$0x3] =	sbarrier.arrive $0xFFFF  }
0x140: {  	_ =	shalt  }

// kernel: sparse-core-data-format-call.cloned.1.call-start
scs
called_computation_lowered:
.L_overlay_start_0:
0x0: {  	s2 =	sld [smem:$0x3FD9]  }
0x1: {  	s3 =	sld [smem:$0x3FFE];
	_ =	sdelay $0x1  }
0x2: {  	s1 =	srdreg.scid  }
0x3: {  	s0 =	sand.u32 $0x1, s1  }
0x4: {  	s18 =	sshll.u32 s0, $0xA;
	s2 =	sadd.s32 s3, s2  }
0x5: {  	s2 =	sadd.s32 s2, s18  }
0x6: {  	[smem:$0x3FC6] =	sst s2  }
0x7: {  	_ = 	snop  }
0x8: {  	s2 =	sld [smem:$0x3FD0];
	(tm) =	ssettm $0x1  }
0x9: {  	s19 =	sld [smem:$0x3FFB];
	_ =	sdelay $0x3  }
0xa: {  	_ =	strace s19  }
0xb: {  	s3 =	sld [smem:$0x3FFC];
	_ =	sdelay $0x3  }
0xc: {  	_ =	strace s3  }
0xd: {  	s3 =	sld [smem:$0x3FFD];
	_ =	sdelay $0x3  }
0xe: {  	_ =	strace s3  }
0xf: {  	_ =	strace $0x8FFFFFFF  }
0x10: {  	s20 =	sld [smem:$0x3FDB];
	_ =	sdelay $0x1  }
0x11: {  	s4 =	simm.s32 $_scs_section_size  }
0x12: {  	s5 =	simm.s32 $_size__tile_overlayer_lowered;
	s6 =	simm.s32 $_tile_overlayer_lowered  }
0x13: {  	s23 =	simm.s32 $0x1BFF;
	s22 =	sshll.u32 s6, $0x1;
	s3 =	sadd.s32 s4, s20  }
0x14: {  	s7 =	simm.s32 $0x0;
	s21 =	sshll.u32 s5, $0x1;
	s5 =	sadd.s32 s22, s3  }
0x15: {  	[timem:s7], [sflag:s23] =	dma.local [hbm:s5], s21  }
0x16: {  	_ =	swait.ge [sflag:s23], s21  }
0x17: {  	s4 =	ssub.s32 $0x0, s21;
	[sflag:s23] =	ssyncset.done $0x0  }
0x18: {  	[sflag:s23] =	ssyncadd.s32 s4;
	_ =	sdelay $0x1  }
0x19: {  	s24 =	simm.s32 $0x1B8B  }
0x1a: {  	_ =	swait.ge [sflag:s24], $0x1  }
0x1b: {  	[sflag:s24] =	ssyncset.done $0x0  }
0x1c: {  	s26 =	simm.s32 $0x1B8E;
	s25 =	sld [smem:$0x3FFE];
	[sflag:s24] =	ssyncadd.s32 $0xFFFFFFFF  }
0x1d: {  	s27 =	simm.s32 $execute0_lowered;
	[smem:$0x3FD2] =	sst s26  }
0x1e: {  	s5 =	sshll.u32 s27, $0x1;
	_ =	strace $0x80000049;
	[dreg:$0x1] =	wrdreg $0xFFFFFFFF  }
0x1f: {  	s28 =	simm.s32 $_size_execute0_lowered;
	s3 =	sadd.s32 s3, s5;
	[dreg:$0x0] =	wrdreg $0x0  }
0x20: {  	s5 =	sshll.u32 s28, $0x1;
	[dreg:$0x2] =	wrdreg s3  }
0x21: {  	[dreg:$0x3] =	wrdreg s5  }
0x22: {  	[dreg:$0x4] =	wrdreg $0xC0  }
0x23: {  	_ =	task [dreg:s7], $0x5FFFF  }
0x24: {  	[dreg:$0x1] =	wrdreg $0xFFFFFFFF  }
0x25: {  	[dreg:$0x0] =	wrdreg $0x60  }
0x26: {  	[dreg:$0x2] =	wrdreg s25  }
0x27: {  	[dreg:$0x3] =	wrdreg s2  }
0x28: {  	[dreg:$0x4] =	wrdreg $0x9  }
0x29: {  	_ =	task.clear_ibuf [dreg:s7], $0x5FFFF;
	_ =	strace $0x90000049  }
0x2a: {  	s29 =	simm.s32 $0x9;
	_ =	strace $0x8000004B  }
0x2b: {  	_ =	swait.ge [sflag:s29], $0x1  }
0x2c: {  	[sflag:s29] =	ssyncadd.s32 $0xFFFFFFFF  }
0x2d: {  	_ =	strace $0x9000004B  }
0x2e: {  	_ =	sfence  }
0x2f: {  	s30 =	sld [smem:$0x0];
	_ =	sdelay $0x2  }
0x30: {  	s31 =	sshll.u32 s1, $0xD;
	s1 =	sshrl.u32 s1, $0x2  }
0x31: {  	s3 =	sand.u32 $0x4000, s31;
	s1 =	sadd.s32 s1, s30  }
0x32: {  	s0 =	sor.u32 s3, s0;
	s1 =	sshll.u32 s1, $0x11  }
0x33: {  	s0 =	sor.u32 s1, s0  }
0x34: {  	s0 =	sadd.s32 $0x8F2B, s0  }
0x35: {  	[sflag:s0] =	ssyncadd.remote.s32 $0x1  }
0x36: {  	_ =	sfence.sel $0xFFFF  }
0x37: {  	[dreg:$0x0] =	wrdreg $0xFFFFFFFF;
	(pc) =	sbr.abs _section_cstart, $3  }
0x38: {  	[dreg:$0x1] =	wrdreg $0xFFFFFFFF  }
0x39: {  	_ =	task.clear_ibuf [dreg:s7], $0x2FFFF;
	_ =	strace $0x9FFFFFFF  }
0x3a: {  	(tm) =	ssettm $0x7FFFFFFF  }
0x3b: {  	_ =	shalt  }
tec
execute0_lowered:
.L_overlay_start_1:
0x0: {  	(tag) =	ssettag $0x1  }
0x1: {  	s0 =	srdreg.scid  }
0x2: {  	s1 =	sshll.u32 s0, $0x4  }
0x3: {  	s0 =	stileid.u32;
	s1 =	sand.u32 $0x10, s1  }
0x4: {  	s1 =	sor.u32 s0, s1  }
0x5: {  	s6 =	rddreg [dreg:$0x0];
	s4 =	simm.s32 $0x1;
	s2 =	sshll.u32 s1, $0x7  }
0x6: {  	s7 =	simm.s32 $0x2;
	s12 =	simm.s32 $0x0;
	s1 =	ssub.s32 $0x4000, s2  }
0x7: {  	s8 =	simm.s32 $0x20000;
	s13 =	simm.s32 $0x0;
	s3 =	sand.u32 $0xF80, s1  }
0x8: {  	s9 =	simm.s32 $0x0;
	s5 =	sshrl.u32 s1, $0xC;
	p0 =	sne.s32 s3, $0x0  }
.Ltmp0:
0x9: {  	s1 =	rddreg [dreg:$0x2];
	s4 =	simm.s32 @!p0 $0x0;
	(pc) =	sbr.rel .LBB1_1-.Ltmp0, $4  }
0xa: {  	s11 =	simm.s32 $0x0;
	s3 =	rddreg [dreg:$0x1];
	s5 =	sadd.s32 s4, s5  }
0xb: {  	_ =	strace $0x8000004A;
	s4 =	simm.s32 $0x1;
	s5 =	smul.u32 $0x32, s5  }
0xc: {  	s6 =	sadd.s32 $0xA00, s6;
	s10 =	smov.u32 s2;
	[sflag:s4] =	ssyncpa.u1 $0x0  }
0xd: {  	p0 =	por $0x0, $0x0;
	[sflag:s7] =	ssyncpa.u1 $0x0;
	s7 =	sor.u32 $0x1, s5  }
.LBB1_4:
0xe: {  	s16 =	sshll.u32 s13, $0x3;
	s17 =	sand.u32 $0x78, s13  }
0xf: {  	s30 =	sand.u32 $0x1F800, s13;
	s12 =	sshll.u32 s12, $0x11;
	s16 =	sand.u32 $0x3C00, s16  }
0x10: {  	[tilespmem:s15+$0x810 ss:$0x81] =	vst.msk $0xffff, v2;
	s31 =	sand.u32 $0x7, s13;
	s16 =	sor.u32 s17, s16;
	s17 =	sadd.s32 s3, s30  }
0x11: {  	[tilespmem:s15+$0x1020 ss:$0x81] =	vst.msk $0xffff, v0;
	s13 =	sshll.u32 s31, $0x12;
	s12 =	sadd.s32 s12, s17;
	s16 =	sshrl.u32 s16, $0x3  }
0x12: {  	[tilespmem:s15+$0x0 ss:$0x81] =	vst.msk $0xffff, v1;
	s13 =	sor.u32 $0x400, s13;
	s12 =	sadd.s32 s16, s12  }
0x13: {  	[hbm4b:s12+s13] =	stream.strided.scatter [tilespmem:s14], [sflag:$0x2], $0x2000, s8, s13, $0x20;
	[tilespmem:$0x8080] =	vst v63  }
.LBB1_5:
0x14: {  	s14 =	sadd.s32 $0x1, s9  }
0x15: {  	s12 =	sadd.s32 $0x1000, s10;
	s16 =	smov.u32 s10;
	p2 =	sgt.s32 s14, $0x31  }
0x16: {  	s16 =	smov.u32 @p2 s12  }
0x17: {  	s14 =	simm.s32 @p2 $0x0;
	p2 =	sgt.s32 s16, $0x3FFF  }
0x18: {  	s16 =	smov.u32 @p2 s2;
	p2 =	sne.s32 s11, s7  }
.Ltmp1:
0x19: {  	p1 =	slt.u32 s11, $0x2;
	(pc) =	sbr.rel @!p2 .LBB1_6-.Ltmp1, $4  }
0x1a: {  	s15 =	simm.s32 @!p1 $0x2  }
0x1b: {  	s13 =	smov.u32 s10;
	p0 =	por !p0, !p0;
	_ =	swait.ge @!p1 [sflag:s15], $0x2000  }
0x1c: {  	s12 =	smov.u32 s9;
	[sflag:s15] =	ssyncset.done @!p1 $0x0;
	s9 =	smov.u32 s14  }
0x1d: {  	s11 =	sadd.s32 $0x1, s11;
	[sflag:s15] =	ssyncadd.s32 @!p1 $0xFFFFE000;
	s10 =	smov.u32 s16  }
.LBB1_1:
0x1e: {  	p1 =	sge.u32 s11, s5  }
0x1f: {  	s14 =	sand.u32 @!p1 $0x1FFFFFF, s9  }
0x20: {  	s15 =	smulhi.u32 @!p1 $0x4924925, s14;
	_ =	sdelay $0x1  }
0x21: {  	s15 =	smul.u32 @!p1 $0x38, s15  }
0x22: {  	s16 =	sxor.u32 @!p1 $0xFFFFFFFF, s11;
	s17 =	smul.u32 @!p1 $0x380, s10  }
0x23: {  	s31 =	sadd.s32 $0xFFFFFFFF, s11;
	s16 =	sshll.u32 @!p1 s16, $0xD;
	s14 =	ssub.s32 @!p1 s14, s15  }
0x24: {  	s15 =	sand.u32 @!p1 $0x2000, s16;
	s16 =	sadd.s32 @!p1 s6, s17;
	s14 =	sshll.u32 @!p1 s14, $0x4  }
0x25: {  	s17 =	simm.s32 @!p1 $0x1C00;
	s14 =	sadd.s32 @!p1 s14, s16;
	s16 =	simm.s32 @!p1 $0x40  }
0x26: {  	[tilespmem:s15], [sflag:$0x1] =	stream.strided.gather @!p1 [hbm4b:s14+s16], $0x2000, s17, s16, $0x38;
	[tilespmem:$0x8080] =	vst v63  }
0x27: {  	p1 =	sge.u32 s31, s5  }
.Ltmp2:
0x28: {  	_ = 	snop;
	(pc) =	sbr.rel @p1 .LBB1_5-.Ltmp2, $1  }
0x29: {  	_ =	sdelay $0x3  }
0x2a: {  	s14 =	simm.s32 $0x1  }
0x2b: {  	_ =	swait.ge [sflag:s4], $0x2000;
	s14 =	simm.s32 @!p0 $0x0  }
0x2c: {  	[sflag:s4] =	ssyncset.done $0x0;
	s15 =	sshll.u32 s14, $0xD  }
0x2d: {  	[sflag:s4] =	ssyncadd.s32 $0xFFFFE000;
	s18 =	sor.u32 $0x20, s15  }
0x2e: {  	s14 =	smul.u32 $0x8100, s14;
	v3 =	vld [tilespmem:s18+$0x10]  }
0x2f: {  	s30 =	sand.u32 $0x1, s11;
	v2 =	vld [tilespmem:s18+$0xFFFFFFF0]  }
0x30: {  	s15 =	smul.u32 $0x8100, s30;
	s14 =	sshrl.u32 s14, $0x2;
	v0 =	vld [tilespmem:s18+$0x0]  }
0x31: {  	v1 =	vld [tilespmem:s18+$0xFFFFFFE0];
	s16 =	sor.u32 $0x4000, s14  }
0x32: {  	s31 =	sshrl.u32 s15, $0x2;
	s15 =	sadd.s32 $0x0, s16  }
0x33: {  	s17 =	simm.s32 $0x4;
	s18 =	sadd.s32 $0x40, s18;
	s14 =	sor.u32 $0x4000, s31;
	[tilespmem:s15+$0x1830 ss:$0x81] =	vst.msk $0xffff, v3  }
.LBB1_3:
0x34: {  	v3 =	vld [tilespmem:s18+$0x10];
	p1 =	sne.s32 s17, $0x1FC;
	[tilespmem:s15+$0x810 ss:$0x81] =	vst.msk $0xffff, v2;
	s19 =	smov.u32 s17;
	s17 =	sadd.s32 $0x4, s17  }
.Ltmp3:
0x35: {  	v2 =	vld [tilespmem:s18+$0xFFFFFFF0];
	[tilespmem:s15+$0x1020 ss:$0x81] =	vst.msk $0xffff, v0;
	(pc) =	sbr.rel @p1 .LBB1_3-.Ltmp3, $4  }
0x36: {  	v0 =	vld [tilespmem:s18+$0x0];
	[tilespmem:s15+$0x0 ss:$0x81] =	vst.msk $0xffff, v1  }
0x37: {  	s15 =	sshra.s32 s19, $0x2;
	v1 =	vld [tilespmem:s18+$0xFFFFFFE0]  }
0x38: {  	s15 =	sadd.s32 s15, s16  }
0x39: {  	s18 =	sadd.s32 $0x40, s18;
	[tilespmem:s15+$0x1830 ss:$0x81] =	vst.msk $0xffff, v3  }
.Ltmp4:
0x3a: {  	_ = 	snop;
	(pc) =	sbr.rel .LBB1_4-.Ltmp4, $1  }
0x3b: {  	_ =	sdelay $0x3  }
.LBB1_6:
0x3c: {  	_ =	sfence.sel $0x180000  }
0x3d: {  	s2 =	simm.s32 $0x1;
	[bflag:$0x0] =	sbarrier.arrive $0xFFFF  }
0x3e: {  	s31 =	simm.s32 $0x2;
	[sflag:s2] =	ssyncpa.u1 $0x1  }
0x3f: {  	[sflag:s31] =	ssyncpa.u1 $0x1  }
0x40: {  	p0 =	sne.s32 s0, $0x0;
	_ =	strace $0x9000004A  }
0x41: {  	s0 =	sadd.s32 @!p0 $0x100000, s1;
	[bflag:$0x2] =	sbarrier.arrive $0xFFFF  }
0x42: {  	[sflag:s0] =	ssyncadd.tile.s32 @!p0 $0x1;
	_ =	shalt  }
.Lfunc_end1:
_tile_overlayer_lowered:
.L_overlay_start_2:
0x43: {  	(tag) =	ssettag $0x2  }
0x44: {  	s0 =	rddreg [dreg:$0x0];
	s2 =	stileid.u32  }
0x45: {  	s1 =	rddreg [dreg:$0x1];
	p0 =	sne.s32 s2, $0x0  }
0x46: {  	s3 =	rddreg [dreg:$0x2];
	[bflag:$0x3] =	sbarrier.arrive $0xFFFF;
	s2 =	simm.s32 @!p0 $0x1C01  }
0x47: {  	[timem:s3], [sflag:s2] =	dma.local @!p0 [hbm:s0], s1  }
0x48: {  	s0 =	simm.s32 @!p0 $0x1  }
0x49: {  	_ =	swait.ge @!p0 [sflag:s0], s1  }
0x4a: {  	s1 =	ssub.s32 @!p0 $0x0, s1;
	[sflag:s0] =	ssyncset.done @!p0 $0x0  }
0x4b: {  	[sflag:s0] =	ssyncadd.s32 @!p0 s1  }
0x4c: {  	[bflag:$0x3] =	sbarrier.arrive $0xFFFF  }
0x4d: {  	_ =	shalt  }

</sc_bundles>
